<compile_context>
chip_gen: v7x
topology: tpu7x:2x2x1
jax: 0.10.2.dev20260603
libtpu: 0.0.44.dev20260713+nightly
codegen_flags: <defaults>
</compile_context>

<pallas_src>
import functools

import jax
import jax.numpy as jnp
from jax import lax
from jax.experimental import pallas as pl
from jax.experimental.pallas import tpu as pltpu
from jax.experimental.pallas import tpu_sc as plsc

NC = 2
NS = 16
L = 16
NW = NC * NS
B = 4096
BPW = B // NW
D = 16
N_ITEMS = 100000
MEAN_BLK = 51200


def _sigmoid(x):
    return 1.0 / (1.0 + jnp.exp(-x))


def _mean_body(dooft_ref, out_ref):
    out_ref[...] = jnp.sum(dooft_ref[...], axis=0) * (1.0 / D)


_doof_mean = pl.pallas_call(
    _mean_body,
    grid=((N_ITEMS + MEAN_BLK - 1) // MEAN_BLK,),
    in_specs=[pl.BlockSpec((D, MEAN_BLK), lambda i: (0, i))],
    out_specs=pl.BlockSpec((MEAN_BLK,), lambda i: (i,)),
    out_shape=jax.ShapeDtypeStruct((N_ITEMS,), jnp.float32),
)


def _sc_body(user_hbm, item_hbm, ts_hbm, cs_hbm, drs_hbm, dm_hbm, out_hbm,
             uidx, iidx, ts_v, cs_v, drs_v, dm_v, out_v, sem):
    wid = lax.axis_index("s") * NC + lax.axis_index("c")
    base = wid * BPW

    i0 = pltpu.async_copy(user_hbm.at[pl.ds(base, BPW)], uidx, sem)
    i1 = pltpu.async_copy(item_hbm.at[pl.ds(base, BPW)], iidx, sem)
    i0.wait()
    i1.wait()

    copies = [
        pltpu.async_copy(ts_hbm.at[uidx], ts_v, sem),
        pltpu.async_copy(cs_hbm.at[uidx], cs_v, sem),
        pltpu.async_copy(drs_hbm.at[iidx], drs_v, sem),
        pltpu.async_copy(dm_hbm.at[iidx], dm_v, sem),
    ]
    for c in copies:
        c.wait()

    for j in range(BPW // L):
        sl = pl.ds(j * L, L)
        out_v[sl] = (
            _sigmoid(ts_v[sl]) * _sigmoid(drs_v[sl])
            + _sigmoid(cs_v[sl]) * dm_v[sl])

    pltpu.sync_copy(out_v, out_hbm.at[pl.ds(base, BPW)])


_sc_call = functools.partial(
    pl.kernel,
    out_type=jax.ShapeDtypeStruct((B,), jnp.float32),
    mesh=plsc.VectorSubcoreMesh(
        core_axis_name="c", subcore_axis_name="s",
        num_cores=NC, num_subcores=NS),
    scratch_types=[
        pltpu.VMEM((BPW,), jnp.int32),
        pltpu.VMEM((BPW,), jnp.int32),
        pltpu.VMEM((BPW,), jnp.float32),
        pltpu.VMEM((BPW,), jnp.float32),
        pltpu.VMEM((BPW,), jnp.float32),
        pltpu.VMEM((BPW,), jnp.float32),
        pltpu.VMEM((BPW,), jnp.float32),
        pltpu.SemaphoreType.DMA,
    ],
)(_sc_body)


def kernel(user, item, user_ts, user_cs, item_DRS, item_DOOF):
    doof_mean = _doof_mean(item_DOOF.T)
    return _sc_call(user, item, user_ts, user_cs, item_DRS, doof_mean)

# --- scband reference (transcript-rebuilt; emitter-appended) ---
"""Pipeline reference for scband-balan-rec-user-side-28424093565708 (READ-ONLY COPY).

The authoritative reference and input builder live on the scoring server;
editing this copy changes nothing except your own understanding.
"""

import jax, jax.numpy as jnp
import numpy as np

NUM_USERS = 100000
NUM_ITEMS = 100000
DOOF_DIM = 16
BATCH = 4096
WEIGHT = 1.0


def setup_inputs(seed: int = 0) -> dict:
    key = jax.random.key(seed)
    k_u, k_i, k_ts, k_cs, k_drs, k_doof = jax.random.split(key, 6)
    user = jax.random.randint(k_u, (BATCH,), 0, NUM_USERS, dtype=jnp.int64 if jax.config.jax_enable_x64 else jnp.int32).astype(jnp.int32)
    item = jax.random.randint(k_i, (BATCH,), 0, NUM_ITEMS, dtype=jnp.int32)
    user_ts = jax.random.normal(k_ts, (NUM_USERS,), dtype=jnp.float32)
    user_cs = jax.random.normal(k_cs, (NUM_USERS,), dtype=jnp.float32)
    item_DRS = jax.random.uniform(k_drs, (NUM_ITEMS,), dtype=jnp.float32)
    item_DOOF = jax.random.uniform(k_doof, (NUM_ITEMS, DOOF_DIM), dtype=jnp.float32)
    return {
        "user": user,
        "item": item,
        "user_ts": user_ts,
        "user_cs": user_cs,
        "item_DRS": item_DRS,
        "item_DOOF": item_DOOF,
    }


def reference(user, item, user_ts, user_cs, item_DRS, item_DOOF):
    # Per (user, item) pair: gather precomputed per-user time/cost sensitivity
    # scalars and per-item DRS scalar + DOOF feature vector (mean over features),
    # matching BalanRecUserSide.forward.
    ts = jnp.take(user_ts, user, axis=0)
    cs = jnp.take(user_cs, user, axis=0)
    drs = jnp.take(item_DRS, item, axis=0)
    doof_vec = jnp.take(item_DOOF, item, axis=0)
    doof = jnp.sum(doof_vec, axis=1) / doof_vec.shape[1]
    score_fame = jax.nn.sigmoid(cs) * doof
    score_time = jax.nn.sigmoid(ts) * jax.nn.sigmoid(drs)
    return WEIGHT * score_time + score_fame

if __name__ == "__main__":
    import jax
    _d = setup_inputs()
    print(jax.jit(kernel)(*tuple(_d.values())))

</pallas_src>

<mosaic_0001>
#map = affine_map<(d0, d1) -> (0)>
module attributes {stable_mosaic.version = 14 : i64} {
  func.func @_sc_body(%arg0: i32, %arg1: i32, %arg2: memref<4096xi32, #tpu.memory_space<hbm>>, %arg3: memref<4096xi32, #tpu.memory_space<hbm>>, %arg4: memref<100000xf32, #tpu.memory_space<hbm>>, %arg5: memref<100000xf32, #tpu.memory_space<hbm>>, %arg6: memref<100000xf32, #tpu.memory_space<hbm>>, %arg7: memref<100000xf32, #tpu.memory_space<hbm>>, %arg8: memref<4096xf32, #tpu.memory_space<hbm>>, %arg9: memref<128xi32, #tpu.memory_space<vmem>>, %arg10: memref<128xi32, #tpu.memory_space<vmem>>, %arg11: memref<128xf32, #tpu.memory_space<vmem>>, %arg12: memref<128xf32, #tpu.memory_space<vmem>>, %arg13: memref<128xf32, #tpu.memory_space<vmem>>, %arg14: memref<128xf32, #tpu.memory_space<vmem>>, %arg15: memref<128xf32, #tpu.memory_space<vmem>>, %arg16: memref<!tpu.dma_semaphore, #tpu.memory_space<semaphore_mem>>) attributes {dimension_semantics = [#tpu.dimension_semantics<core_parallel>, #tpu.dimension_semantics<subcore_parallel>], iteration_bounds = array<i64: 2, 16>, scalar_prefetch = 0 : i64, scratch_operands = 8 : i64, tpu.core_type = #tpu.core_type<sc_vector_subcore>, window_params = [{transform_indices = #map}, {transform_indices = #map}, {transform_indices = #map}, {transform_indices = #map}, {transform_indices = #map}, {transform_indices = #map}, {transform_indices = #map}]} {
    %mul3A = arith.constant 2 : i32
    %mul3A_0 = arith.muli %arg1, %mul3A : i32
    %add3A = arith.addi %mul3A_0, %arg0 : i32
    %mul3A_1 = arith.constant 128 : i32
    %mul3A_2 = arith.muli %add3A, %mul3A_1 : i32
    %dma_start3A = tpu.memref_slice %arg2[%mul3A_2] : memref<4096xi32, #tpu.memory_space<hbm>> -> memref<128xi32, #tpu.memory_space<hbm>>
    %dma_start3A_3 = tpu.memref_slice %arg2[%mul3A_2] : memref<4096xi32, #tpu.memory_space<hbm>> -> memref<128xi32, #tpu.memory_space<hbm>>
    tpu.enqueue_dma source(%dma_start3A_3 : memref<128xi32, #tpu.memory_space<hbm>>) target(%arg9 : memref<128xi32, #tpu.memory_space<vmem>>) target_semaphore(%arg16 : memref<!tpu.dma_semaphore, #tpu.memory_space<semaphore_mem>>)
    %dma_start3A_4 = tpu.memref_slice %arg3[%mul3A_2] : memref<4096xi32, #tpu.memory_space<hbm>> -> memref<128xi32, #tpu.memory_space<hbm>>
    %dma_start3A_5 = tpu.memref_slice %arg3[%mul3A_2] : memref<4096xi32, #tpu.memory_space<hbm>> -> memref<128xi32, #tpu.memory_space<hbm>>
    tpu.enqueue_dma source(%dma_start3A_5 : memref<128xi32, #tpu.memory_space<hbm>>) target(%arg10 : memref<128xi32, #tpu.memory_space<vmem>>) target_semaphore(%arg16 : memref<!tpu.dma_semaphore, #tpu.memory_space<semaphore_mem>>)
    %dma_wait3A = tpu.memref_slice %arg2[%mul3A_2] : memref<4096xi32, #tpu.memory_space<hbm>> -> memref<128xi32, #tpu.memory_space<hbm>>
    %dma_wait3A_6 = tpu.memref_slice %arg2[%mul3A_2] : memref<4096xi32, #tpu.memory_space<hbm>> -> memref<128xi32, #tpu.memory_space<hbm>>
    tpu.wait_dma2 semaphore(%arg16 : memref<!tpu.dma_semaphore, #tpu.memory_space<semaphore_mem>>) src(%dma_wait3A_6 : memref<128xi32, #tpu.memory_space<hbm>>) dst(%arg9 : memref<128xi32, #tpu.memory_space<vmem>>)
    %dma_wait3A_7 = tpu.memref_slice %arg3[%mul3A_2] : memref<4096xi32, #tpu.memory_space<hbm>> -> memref<128xi32, #tpu.memory_space<hbm>>
    %dma_wait3A_8 = tpu.memref_slice %arg3[%mul3A_2] : memref<4096xi32, #tpu.memory_space<hbm>> -> memref<128xi32, #tpu.memory_space<hbm>>
    tpu.wait_dma2 semaphore(%arg16 : memref<!tpu.dma_semaphore, #tpu.memory_space<semaphore_mem>>) src(%dma_wait3A_8 : memref<128xi32, #tpu.memory_space<hbm>>) dst(%arg10 : memref<128xi32, #tpu.memory_space<vmem>>)
    %dma_start3A_9 = arith.constant 0 : i32
    %dma_start3A_10 = tpu.memref_slice %arg4[%dma_start3A_9] : memref<100000xf32, #tpu.memory_space<hbm>> -> memref<100000xf32, #tpu.memory_space<hbm>>
    tpu.enqueue_indirect_dma source(%dma_start3A_10 : memref<100000xf32, #tpu.memory_space<hbm>>) target(%arg11 : memref<128xf32, #tpu.memory_space<vmem>>) offsets(%arg9 : memref<128xi32, #tpu.memory_space<vmem>>) semaphore(%arg16 : memref<!tpu.dma_semaphore, #tpu.memory_space<semaphore_mem>>)
    %dma_start3A_11 = arith.constant 0 : i32
    %dma_start3A_12 = tpu.memref_slice %arg5[%dma_start3A_11] : memref<100000xf32, #tpu.memory_space<hbm>> -> memref<100000xf32, #tpu.memory_space<hbm>>
    tpu.enqueue_indirect_dma source(%dma_start3A_12 : memref<100000xf32, #tpu.memory_space<hbm>>) target(%arg12 : memref<128xf32, #tpu.memory_space<vmem>>) offsets(%arg9 : memref<128xi32, #tpu.memory_space<vmem>>) semaphore(%arg16 : memref<!tpu.dma_semaphore, #tpu.memory_space<semaphore_mem>>)
    %dma_start3A_13 = arith.constant 0 : i32
    %dma_start3A_14 = tpu.memref_slice %arg6[%dma_start3A_13] : memref<100000xf32, #tpu.memory_space<hbm>> -> memref<100000xf32, #tpu.memory_space<hbm>>
    tpu.enqueue_indirect_dma source(%dma_start3A_14 : memref<100000xf32, #tpu.memory_space<hbm>>) target(%arg13 : memref<128xf32, #tpu.memory_space<vmem>>) offsets(%arg10 : memref<128xi32, #tpu.memory_space<vmem>>) semaphore(%arg16 : memref<!tpu.dma_semaphore, #tpu.memory_space<semaphore_mem>>)
    %dma_start3A_15 = arith.constant 0 : i32
    %dma_start3A_16 = tpu.memref_slice %arg7[%dma_start3A_15] : memref<100000xf32, #tpu.memory_space<hbm>> -> memref<100000xf32, #tpu.memory_space<hbm>>
    tpu.enqueue_indirect_dma source(%dma_start3A_16 : memref<100000xf32, #tpu.memory_space<hbm>>) target(%arg14 : memref<128xf32, #tpu.memory_space<vmem>>) offsets(%arg10 : memref<128xi32, #tpu.memory_space<vmem>>) semaphore(%arg16 : memref<!tpu.dma_semaphore, #tpu.memory_space<semaphore_mem>>)
    %dma_wait3A_17 = arith.constant 0 : i32
    %dma_wait3A_18 = tpu.memref_slice %arg4[%dma_wait3A_17] : memref<100000xf32, #tpu.memory_space<hbm>> -> memref<100000xf32, #tpu.memory_space<hbm>>
    tpu.wait_indirect_dma semaphore(%arg16 : memref<!tpu.dma_semaphore, #tpu.memory_space<semaphore_mem>>) src(%dma_wait3A_18 : memref<100000xf32, #tpu.memory_space<hbm>>) dst(%arg11 : memref<128xf32, #tpu.memory_space<vmem>>)
    %dma_wait3A_19 = arith.constant 0 : i32
    %dma_wait3A_20 = tpu.memref_slice %arg5[%dma_wait3A_19] : memref<100000xf32, #tpu.memory_space<hbm>> -> memref<100000xf32, #tpu.memory_space<hbm>>
    tpu.wait_indirect_dma semaphore(%arg16 : memref<!tpu.dma_semaphore, #tpu.memory_space<semaphore_mem>>) src(%dma_wait3A_20 : memref<100000xf32, #tpu.memory_space<hbm>>) dst(%arg12 : memref<128xf32, #tpu.memory_space<vmem>>)
    %dma_wait3A_21 = arith.constant 0 : i32
    %dma_wait3A_22 = tpu.memref_slice %arg6[%dma_wait3A_21] : memref<100000xf32, #tpu.memory_space<hbm>> -> memref<100000xf32, #tpu.memory_space<hbm>>
    tpu.wait_indirect_dma semaphore(%arg16 : memref<!tpu.dma_semaphore, #tpu.memory_space<semaphore_mem>>) src(%dma_wait3A_22 : memref<100000xf32, #tpu.memory_space<hbm>>) dst(%arg13 : memref<128xf32, #tpu.memory_space<vmem>>)
    %dma_wait3A_23 = arith.constant 0 : i32
    %dma_wait3A_24 = tpu.memref_slice %arg7[%dma_wait3A_23] : memref<100000xf32, #tpu.memory_space<hbm>> -> memref<100000xf32, #tpu.memory_space<hbm>>
    tpu.wait_indirect_dma semaphore(%arg16 : memref<!tpu.dma_semaphore, #tpu.memory_space<semaphore_mem>>) src(%dma_wait3A_24 : memref<100000xf32, #tpu.memory_space<hbm>>) dst(%arg14 : memref<128xf32, #tpu.memory_space<vmem>>)
    %get3A = arith.constant 0 : index
    %get3A_25 = tpu.vector_load %arg11[%get3A] {strides = array<i32>} : memref<128xf32, #tpu.memory_space<vmem>>, vector<16xf32>,
    %get3A_26 = vector.shape_cast %get3A_25 : vector<16xf32> to vector<16xf32>
    %neg3A = arith.constant 0.000000e+00 : f32
    %neg3A_27 = vector.broadcast %neg3A : f32 to vector<16xf32>
    %neg3A_28 = arith.subf %neg3A_27, %get3A_26 : vector<16xf32>
    %exp3A = math.exp %neg3A_28 : vector<16xf32>
    %add3A_29 = arith.constant 1.000000e+00 : f32
    %add3A_30 = vector.broadcast %add3A_29 : f32 to vector<16xf32>
    %add3A_31 = arith.addf %add3A_30, %exp3A : vector<16xf32>
    %div3A = arith.constant 1.000000e+00 : f32
    %div3A_32 = vector.broadcast %div3A : f32 to vector<16xf32>
    %div3A_33 = arith.divf %div3A_32, %add3A_31 : vector<16xf32>
    %get3A_34 = arith.constant 0 : index
    %get3A_35 = tpu.vector_load %arg13[%get3A_34] {strides = array<i32>} : memref<128xf32, #tpu.memory_space<vmem>>, vector<16xf32>,
    %get3A_36 = vector.shape_cast %get3A_35 : vector<16xf32> to vector<16xf32>
    %neg3A_37 = arith.constant 0.000000e+00 : f32
    %neg3A_38 = vector.broadcast %neg3A_37 : f32 to vector<16xf32>
    %neg3A_39 = arith.subf %neg3A_38, %get3A_36 : vector<16xf32>
    %exp3A_40 = math.exp %neg3A_39 : vector<16xf32>
    %add3A_41 = arith.constant 1.000000e+00 : f32
    %add3A_42 = vector.broadcast %add3A_41 : f32 to vector<16xf32>
    %add3A_43 = arith.addf %add3A_42, %exp3A_40 : vector<16xf32>
    %div3A_44 = arith.constant 1.000000e+00 : f32
    %div3A_45 = vector.broadcast %div3A_44 : f32 to vector<16xf32>
    %div3A_46 = arith.divf %div3A_45, %add3A_43 : vector<16xf32>
    %mul3A_47 = arith.mulf %div3A_33, %div3A_46 : vector<16xf32>
    %get3A_48 = arith.constant 0 : index
    %get3A_49 = tpu.vector_load %arg12[%get3A_48] {strides = array<i32>} : memref<128xf32, #tpu.memory_space<vmem>>, vector<16xf32>,
    %get3A_50 = vector.shape_cast %get3A_49 : vector<16xf32> to vector<16xf32>
    %neg3A_51 = arith.constant 0.000000e+00 : f32
    %neg3A_52 = vector.broadcast %neg3A_51 : f32 to vector<16xf32>
    %neg3A_53 = arith.subf %neg3A_52, %get3A_50 : vector<16xf32>
    %exp3A_54 = math.exp %neg3A_53 : vector<16xf32>
    %add3A_55 = arith.constant 1.000000e+00 : f32
    %add3A_56 = vector.broadcast %add3A_55 : f32 to vector<16xf32>
    %add3A_57 = arith.addf %add3A_56, %exp3A_54 : vector<16xf32>
    %div3A_58 = arith.constant 1.000000e+00 : f32
    %div3A_59 = vector.broadcast %div3A_58 : f32 to vector<16xf32>
    %div3A_60 = arith.divf %div3A_59, %add3A_57 : vector<16xf32>
    %get3A_61 = arith.constant 0 : index
    %get3A_62 = tpu.vector_load %arg14[%get3A_61] {strides = array<i32>} : memref<128xf32, #tpu.memory_space<vmem>>, vector<16xf32>,
    %get3A_63 = vector.shape_cast %get3A_62 : vector<16xf32> to vector<16xf32>
    %mul3A_64 = arith.mulf %div3A_60, %get3A_63 : vector<16xf32>
    %add3A_65 = arith.addf %mul3A_47, %mul3A_64 : vector<16xf32>
    %swap3A = arith.constant 0 : index
    %swap3A_66 = tpu.vector_load %arg15[%swap3A] {strides = array<i32>} : memref<128xf32, #tpu.memory_space<vmem>>, vector<16xf32>,
    %swap3A_67 = vector.shape_cast %swap3A_66 : vector<16xf32> to vector<16xf32>
    %swap3A_68 = vector.shape_cast %add3A_65 : vector<16xf32> to vector<16xf32>
    tpu.vector_store %arg15[%swap3A], %swap3A_68 {strides = array<i32>} : memref<128xf32, #tpu.memory_space<vmem>>, vector<16xf32>,
    %get3A_69 = arith.constant 16 : index
    %get3A_70 = tpu.vector_load %arg11[%get3A_69] {strides = array<i32>} : memref<128xf32, #tpu.memory_space<vmem>>, vector<16xf32>,
    %get3A_71 = vector.shape_cast %get3A_70 : vector<16xf32> to vector<16xf32>
    %neg3A_72 = arith.constant 0.000000e+00 : f32
    %neg3A_73 = vector.broadcast %neg3A_72 : f32 to vector<16xf32>
    %neg3A_74 = arith.subf %neg3A_73, %get3A_71 : vector<16xf32>
    %exp3A_75 = math.exp %neg3A_74 : vector<16xf32>
    %add3A_76 = arith.constant 1.000000e+00 : f32
    %add3A_77 = vector.broadcast %add3A_76 : f32 to vector<16xf32>
    %add3A_78 = arith.addf %add3A_77, %exp3A_75 : vector<16xf32>
    %div3A_79 = arith.constant 1.000000e+00 : f32
    %div3A_80 = vector.broadcast %div3A_79 : f32 to vector<16xf32>
    %div3A_81 = arith.divf %div3A_80, %add3A_78 : vector<16xf32>
    %get3A_82 = arith.constant 16 : index
    %get3A_83 = tpu.vector_load %arg13[%get3A_82] {strides = array<i32>} : memref<128xf32, #tpu.memory_space<vmem>>, vector<16xf32>,
    %get3A_84 = vector.shape_cast %get3A_83 : vector<16xf32> to vector<16xf32>
    %neg3A_85 = arith.constant 0.000000e+00 : f32
    %neg3A_86 = vector.broadcast %neg3A_85 : f32 to vector<16xf32>
    %neg3A_87 = arith.subf %neg3A_86, %get3A_84 : vector<16xf32>
    %exp3A_88 = math.exp %neg3A_87 : vector<16xf32>
    %add3A_89 = arith.constant 1.000000e+00 : f32
    %add3A_90 = vector.broadcast %add3A_89 : f32 to vector<16xf32>
    %add3A_91 = arith.addf %add3A_90, %exp3A_88 : vector<16xf32>
    %div3A_92 = arith.constant 1.000000e+00 : f32
    %div3A_93 = vector.broadcast %div3A_92 : f32 to vector<16xf32>
    %div3A_94 = arith.divf %div3A_93, %add3A_91 : vector<16xf32>
    %mul3A_95 = arith.mulf %div3A_81, %div3A_94 : vector<16xf32>
    %get3A_96 = arith.constant 16 : index
    %get3A_97 = tpu.vector_load %arg12[%get3A_96] {strides = array<i32>} : memref<128xf32, #tpu.memory_space<vmem>>, vector<16xf32>,
    %get3A_98 = vector.shape_cast %get3A_97 : vector<16xf32> to vector<16xf32>
    %neg3A_99 = arith.constant 0.000000e+00 : f32
    %neg3A_100 = vector.broadcast %neg3A_99 : f32 to vector<16xf32>
    %neg3A_101 = arith.subf %neg3A_100, %get3A_98 : vector<16xf32>
    %exp3A_102 = math.exp %neg3A_101 : vector<16xf32>
    %add3A_103 = arith.constant 1.000000e+00 : f32
    %add3A_104 = vector.broadcast %add3A_103 : f32 to vector<16xf32>
    %add3A_105 = arith.addf %add3A_104, %exp3A_102 : vector<16xf32>
    %div3A_106 = arith.constant 1.000000e+00 : f32
    %div3A_107 = vector.broadcast %div3A_106 : f32 to vector<16xf32>
    %div3A_108 = arith.divf %div3A_107, %add3A_105 : vector<16xf32>
    %get3A_109 = arith.constant 16 : index
    %get3A_110 = tpu.vector_load %arg14[%get3A_109] {strides = array<i32>} : memref<128xf32, #tpu.memory_space<vmem>>, vector<16xf32>,
    %get3A_111 = vector.shape_cast %get3A_110 : vector<16xf32> to vector<16xf32>
    %mul3A_112 = arith.mulf %div3A_108, %get3A_111 : vector<16xf32>
    %add3A_113 = arith.addf %mul3A_95, %mul3A_112 : vector<16xf32>
    %swap3A_114 = arith.constant 16 : index
    %swap3A_115 = tpu.vector_load %arg15[%swap3A_114] {strides = array<i32>} : memref<128xf32, #tpu.memory_space<vmem>>, vector<16xf32>,
    %swap3A_116 = vector.shape_cast %swap3A_115 : vector<16xf32> to vector<16xf32>
    %swap3A_117 = vector.shape_cast %add3A_113 : vector<16xf32> to vector<16xf32>
    tpu.vector_store %arg15[%swap3A_114], %swap3A_117 {strides = array<i32>} : memref<128xf32, #tpu.memory_space<vmem>>, vector<16xf32>,
    %get3A_118 = arith.constant 32 : index
    %get3A_119 = tpu.vector_load %arg11[%get3A_118] {strides = array<i32>} : memref<128xf32, #tpu.memory_space<vmem>>, vector<16xf32>,
    %get3A_120 = vector.shape_cast %get3A_119 : vector<16xf32> to vector<16xf32>
    %neg3A_121 = arith.constant 0.000000e+00 : f32
    %neg3A_122 = vector.broadcast %neg3A_121 : f32 to vector<16xf32>
    %neg3A_123 = arith.subf %neg3A_122, %get3A_120 : vector<16xf32>
    %exp3A_124 = math.exp %neg3A_123 : vector<16xf32>
    %add3A_125 = arith.constant 1.000000e+00 : f32
    %add3A_126 = vector.broadcast %add3A_125 : f32 to vector<16xf32>
    %add3A_127 = arith.addf %add3A_126, %exp3A_124 : vector<16xf32>
    %div3A_128 = arith.constant 1.000000e+00 : f32
    %div3A_129 = vector.broadcast %div3A_128 : f32 to vector<16xf32>
    %div3A_130 = arith.divf %div3A_129, %add3A_127 : vector<16xf32>
    %get3A_131 = arith.constant 32 : index
    %get3A_132 = tpu.vector_load %arg13[%get3A_131] {strides = array<i32>} : memref<128xf32, #tpu.memory_space<vmem>>, vector<16xf32>,
    %get3A_133 = vector.shape_cast %get3A_132 : vector<16xf32> to vector<16xf32>
    %neg3A_134 = arith.constant 0.000000e+00 : f32
    %neg3A_135 = vector.broadcast %neg3A_134 : f32 to vector<16xf32>
    %neg3A_136 = arith.subf %neg3A_135, %get3A_133 : vector<16xf32>
    %exp3A_137 = math.exp %neg3A_136 : vector<16xf32>
    %add3A_138 = arith.constant 1.000000e+00 : f32
    %add3A_139 = vector.broadcast %add3A_138 : f32 to vector<16xf32>
    %add3A_140 = arith.addf %add3A_139, %exp3A_137 : vector<16xf32>
    %div3A_141 = arith.constant 1.000000e+00 : f32
    %div3A_142 = vector.broadcast %div3A_141 : f32 to vector<16xf32>
    %div3A_143 = arith.divf %div3A_142, %add3A_140 : vector<16xf32>
    %mul3A_144 = arith.mulf %div3A_130, %div3A_143 : vector<16xf32>
    %get3A_145 = arith.constant 32 : index
    %get3A_146 = tpu.vector_load %arg12[%get3A_145] {strides = array<i32>} : memref<128xf32, #tpu.memory_space<vmem>>, vector<16xf32>,
    %get3A_147 = vector.shape_cast %get3A_146 : vector<16xf32> to vector<16xf32>
    %neg3A_148 = arith.constant 0.000000e+00 : f32
    %neg3A_149 = vector.broadcast %neg3A_148 : f32 to vector<16xf32>
    %neg3A_150 = arith.subf %neg3A_149, %get3A_147 : vector<16xf32>
    %exp3A_151 = math.exp %neg3A_150 : vector<16xf32>
    %add3A_152 = arith.constant 1.000000e+00 : f32
    %add3A_153 = vector.broadcast %add3A_152 : f32 to vector<16xf32>
    %add3A_154 = arith.addf %add3A_153, %exp3A_151 : vector<16xf32>
    %div3A_155 = arith.constant 1.000000e+00 : f32
    %div3A_156 = vector.broadcast %div3A_155 : f32 to vector<16xf32>
    %div3A_157 = arith.divf %div3A_156, %add3A_154 : vector<16xf32>
    %get3A_158 = arith.constant 32 : index
    %get3A_159 = tpu.vector_load %arg14[%get3A_158] {strides = array<i32>} : memref<128xf32, #tpu.memory_space<vmem>>, vector<16xf32>,
    %get3A_160 = vector.shape_cast %get3A_159 : vector<16xf32> to vector<16xf32>
    %mul3A_161 = arith.mulf %div3A_157, %get3A_160 : vector<16xf32>
    %add3A_162 = arith.addf %mul3A_144, %mul3A_161 : vector<16xf32>
    %swap3A_163 = arith.constant 32 : index
    %swap3A_164 = tpu.vector_load %arg15[%swap3A_163] {strides = array<i32>} : memref<128xf32, #tpu.memory_space<vmem>>, vector<16xf32>,
    %swap3A_165 = vector.shape_cast %swap3A_164 : vector<16xf32> to vector<16xf32>
    %swap3A_166 = vector.shape_cast %add3A_162 : vector<16xf32> to vector<16xf32>
    tpu.vector_store %arg15[%swap3A_163], %swap3A_166 {strides = array<i32>} : memref<128xf32, #tpu.memory_space<vmem>>, vector<16xf32>,
    %get3A_167 = arith.constant 48 : index
    %get3A_168 = tpu.vector_load %arg11[%get3A_167] {strides = array<i32>} : memref<128xf32, #tpu.memory_space<vmem>>, vector<16xf32>,
    %get3A_169 = vector.shape_cast %get3A_168 : vector<16xf32> to vector<16xf32>
    %neg3A_170 = arith.constant 0.000000e+00 : f32
    %neg3A_171 = vector.broadcast %neg3A_170 : f32 to vector<16xf32>
    %neg3A_172 = arith.subf %neg3A_171, %get3A_169 : vector<16xf32>
    %exp3A_173 = math.exp %neg3A_172 : vector<16xf32>
    %add3A_174 = arith.constant 1.000000e+00 : f32
    %add3A_175 = vector.broadcast %add3A_174 : f32 to vector<16xf32>
    %add3A_176 = arith.addf %add3A_175, %exp3A_173 : vector<16xf32>
    %div3A_177 = arith.constant 1.000000e+00 : f32
    %div3A_178 = vector.broadcast %div3A_177 : f32 to vector<16xf32>
    %div3A_179 = arith.divf %div3A_178, %add3A_176 : vector<16xf32>
    %get3A_180 = arith.constant 48 : index
    %get3A_181 = tpu.vector_load %arg13[%get3A_180] {strides = array<i32>} : memref<128xf32, #tpu.memory_space<vmem>>, vector<16xf32>,
    %get3A_182 = vector.shape_cast %get3A_181 : vector<16xf32> to vector<16xf32>
    %neg3A_183 = arith.constant 0.000000e+00 : f32
    %neg3A_184 = vector.broadcast %neg3A_183 : f32 to vector<16xf32>
    %neg3A_185 = arith.subf %neg3A_184, %get3A_182 : vector<16xf32>
    %exp3A_186 = math.exp %neg3A_185 : vector<16xf32>
    %add3A_187 = arith.constant 1.000000e+00 : f32
    %add3A_188 = vector.broadcast %add3A_187 : f32 to vector<16xf32>
    %add3A_189 = arith.addf %add3A_188, %exp3A_186 : vector<16xf32>
    %div3A_190 = arith.constant 1.000000e+00 : f32
    %div3A_191 = vector.broadcast %div3A_190 : f32 to vector<16xf32>
    %div3A_192 = arith.divf %div3A_191, %add3A_189 : vector<16xf32>
    %mul3A_193 = arith.mulf %div3A_179, %div3A_192 : vector<16xf32>
    %get3A_194 = arith.constant 48 : index
    %get3A_195 = tpu.vector_load %arg12[%get3A_194] {strides = array<i32>} : memref<128xf32, #tpu.memory_space<vmem>>, vector<16xf32>,
    %get3A_196 = vector.shape_cast %get3A_195 : vector<16xf32> to vector<16xf32>
    %neg3A_197 = arith.constant 0.000000e+00 : f32
    %neg3A_198 = vector.broadcast %neg3A_197 : f32 to vector<16xf32>
    %neg3A_199 = arith.subf %neg3A_198, %get3A_196 : vector<16xf32>
    %exp3A_200 = math.exp %neg3A_199 : vector<16xf32>
    %add3A_201 = arith.constant 1.000000e+00 : f32
    %add3A_202 = vector.broadcast %add3A_201 : f32 to vector<16xf32>
    %add3A_203 = arith.addf %add3A_202, %exp3A_200 : vector<16xf32>
    %div3A_204 = arith.constant 1.000000e+00 : f32
    %div3A_205 = vector.broadcast %div3A_204 : f32 to vector<16xf32>
    %div3A_206 = arith.divf %div3A_205, %add3A_203 : vector<16xf32>
    %get3A_207 = arith.constant 48 : index
    %get3A_208 = tpu.vector_load %arg14[%get3A_207] {strides = array<i32>} : memref<128xf32, #tpu.memory_space<vmem>>, vector<16xf32>,
    %get3A_209 = vector.shape_cast %get3A_208 : vector<16xf32> to vector<16xf32>
    %mul3A_210 = arith.mulf %div3A_206, %get3A_209 : vector<16xf32>
    %add3A_211 = arith.addf %mul3A_193, %mul3A_210 : vector<16xf32>
    %swap3A_212 = arith.constant 48 : index
    %swap3A_213 = tpu.vector_load %arg15[%swap3A_212] {strides = array<i32>} : memref<128xf32, #tpu.memory_space<vmem>>, vector<16xf32>,
    %swap3A_214 = vector.shape_cast %swap3A_213 : vector<16xf32> to vector<16xf32>
    %swap3A_215 = vector.shape_cast %add3A_211 : vector<16xf32> to vector<16xf32>
    tpu.vector_store %arg15[%swap3A_212], %swap3A_215 {strides = array<i32>} : memref<128xf32, #tpu.memory_space<vmem>>, vector<16xf32>,
    %get3A_216 = arith.constant 64 : index
    %get3A_217 = tpu.vector_load %arg11[%get3A_216] {strides = array<i32>} : memref<128xf32, #tpu.memory_space<vmem>>, vector<16xf32>,
    %get3A_218 = vector.shape_cast %get3A_217 : vector<16xf32> to vector<16xf32>
    %neg3A_219 = arith.constant 0.000000e+00 : f32
    %neg3A_220 = vector.broadcast %neg3A_219 : f32 to vector<16xf32>
    %neg3A_221 = arith.subf %neg3A_220, %get3A_218 : vector<16xf32>
    %exp3A_222 = math.exp %neg3A_221 : vector<16xf32>
    %add3A_223 = arith.constant 1.000000e+00 : f32
    %add3A_224 = vector.broadcast %add3A_223 : f32 to vector<16xf32>
    %add3A_225 = arith.addf %add3A_224, %exp3A_222 : vector<16xf32>
    %div3A_226 = arith.constant 1.000000e+00 : f32
    %div3A_227 = vector.broadcast %div3A_226 : f32 to vector<16xf32>
    %div3A_228 = arith.divf %div3A_227, %add3A_225 : vector<16xf32>
    %get3A_229 = arith.constant 64 : index
    %get3A_230 = tpu.vector_load %arg13[%get3A_229] {strides = array<i32>} : memref<128xf32, #tpu.memory_space<vmem>>, vector<16xf32>,
    %get3A_231 = vector.shape_cast %get3A_230 : vector<16xf32> to vector<16xf32>
    %neg3A_232 = arith.constant 0.000000e+00 : f32
    %neg3A_233 = vector.broadcast %neg3A_232 : f32 to vector<16xf32>
    %neg3A_234 = arith.subf %neg3A_233, %get3A_231 : vector<16xf32>
    %exp3A_235 = math.exp %neg3A_234 : vector<16xf32>
    %add3A_236 = arith.constant 1.000000e+00 : f32
    %add3A_237 = vector.broadcast %add3A_236 : f32 to vector<16xf32>
    %add3A_238 = arith.addf %add3A_237, %exp3A_235 : vector<16xf32>
    %div3A_239 = arith.constant 1.000000e+00 : f32
    %div3A_240 = vector.broadcast %div3A_239 : f32 to vector<16xf32>
    %div3A_241 = arith.divf %div3A_240, %add3A_238 : vector<16xf32>
    %mul3A_242 = arith.mulf %div3A_228, %div3A_241 : vector<16xf32>
    %get3A_243 = arith.constant 64 : index
    %get3A_244 = tpu.vector_load %arg12[%get3A_243] {strides = array<i32>} : memref<128xf32, #tpu.memory_space<vmem>>, vector<16xf32>,
    %get3A_245 = vector.shape_cast %get3A_244 : vector<16xf32> to vector<16xf32>
    %neg3A_246 = arith.constant 0.000000e+00 : f32
    %neg3A_247 = vector.broadcast %neg3A_246 : f32 to vector<16xf32>
    %neg3A_248 = arith.subf %neg3A_247, %get3A_245 : vector<16xf32>
    %exp3A_249 = math.exp %neg3A_248 : vector<16xf32>
    %add3A_250 = arith.constant 1.000000e+00 : f32
    %add3A_251 = vector.broadcast %add3A_250 : f32 to vector<16xf32>
    %add3A_252 = arith.addf %add3A_251, %exp3A_249 : vector<16xf32>
    %div3A_253 = arith.constant 1.000000e+00 : f32
    %div3A_254 = vector.broadcast %div3A_253 : f32 to vector<16xf32>
    %div3A_255 = arith.divf %div3A_254, %add3A_252 : vector<16xf32>
    %get3A_256 = arith.constant 64 : index
    %get3A_257 = tpu.vector_load %arg14[%get3A_256] {strides = array<i32>} : memref<128xf32, #tpu.memory_space<vmem>>, vector<16xf32>,
    %get3A_258 = vector.shape_cast %get3A_257 : vector<16xf32> to vector<16xf32>
    %mul3A_259 = arith.mulf %div3A_255, %get3A_258 : vector<16xf32>
    %add3A_260 = arith.addf %mul3A_242, %mul3A_259 : vector<16xf32>
    %swap3A_261 = arith.constant 64 : index
    %swap3A_262 = tpu.vector_load %arg15[%swap3A_261] {strides = array<i32>} : memref<128xf32, #tpu.memory_space<vmem>>, vector<16xf32>,
    %swap3A_263 = vector.shape_cast %swap3A_262 : vector<16xf32> to vector<16xf32>
    %swap3A_264 = vector.shape_cast %add3A_260 : vector<16xf32> to vector<16xf32>
    tpu.vector_store %arg15[%swap3A_261], %swap3A_264 {strides = array<i32>} : memref<128xf32, #tpu.memory_space<vmem>>, vector<16xf32>,
    %get3A_265 = arith.constant 80 : index
    %get3A_266 = tpu.vector_load %arg11[%get3A_265] {strides = array<i32>} : memref<128xf32, #tpu.memory_space<vmem>>, vector<16xf32>,
    %get3A_267 = vector.shape_cast %get3A_266 : vector<16xf32> to vector<16xf32>
    %neg3A_268 = arith.constant 0.000000e+00 : f32
    %neg3A_269 = vector.broadcast %neg3A_268 : f32 to vector<16xf32>
    %neg3A_270 = arith.subf %neg3A_269, %get3A_267 : vector<16xf32>
    %exp3A_271 = math.exp %neg3A_270 : vector<16xf32>
    %add3A_272 = arith.constant 1.000000e+00 : f32
    %add3A_273 = vector.broadcast %add3A_272 : f32 to vector<16xf32>
    %add3A_274 = arith.addf %add3A_273, %exp3A_271 : vector<16xf32>
    %div3A_275 = arith.constant 1.000000e+00 : f32
    %div3A_276 = vector.broadcast %div3A_275 : f32 to vector<16xf32>
    %div3A_277 = arith.divf %div3A_276, %add3A_274 : vector<16xf32>
    %get3A_278 = arith.constant 80 : index
    %get3A_279 = tpu.vector_load %arg13[%get3A_278] {strides = array<i32>} : memref<128xf32, #tpu.memory_space<vmem>>, vector<16xf32>,
    %get3A_280 = vector.shape_cast %get3A_279 : vector<16xf32> to vector<16xf32>
    %neg3A_281 = arith.constant 0.000000e+00 : f32
    %neg3A_282 = vector.broadcast %neg3A_281 : f32 to vector<16xf32>
    %neg3A_283 = arith.subf %neg3A_282, %get3A_280 : vector<16xf32>
    %exp3A_284 = math.exp %neg3A_283 : vector<16xf32>
    %add3A_285 = arith.constant 1.000000e+00 : f32
    %add3A_286 = vector.broadcast %add3A_285 : f32 to vector<16xf32>
    %add3A_287 = arith.addf %add3A_286, %exp3A_284 : vector<16xf32>
    %div3A_288 = arith.constant 1.000000e+00 : f32
    %div3A_289 = vector.broadcast %div3A_288 : f32 to vector<16xf32>
    %div3A_290 = arith.divf %div3A_289, %add3A_287 : vector<16xf32>
    %mul3A_291 = arith.mulf %div3A_277, %div3A_290 : vector<16xf32>
    %get3A_292 = arith.constant 80 : index
    %get3A_293 = tpu.vector_load %arg12[%get3A_292] {strides = array<i32>} : memref<128xf32, #tpu.memory_space<vmem>>, vector<16xf32>,
    %get3A_294 = vector.shape_cast %get3A_293 : vector<16xf32> to vector<16xf32>
    %neg3A_295 = arith.constant 0.000000e+00 : f32
    %neg3A_296 = vector.broadcast %neg3A_295 : f32 to vector<16xf32>
    %neg3A_297 = arith.subf %neg3A_296, %get3A_294 : vector<16xf32>
    %exp3A_298 = math.exp %neg3A_297 : vector<16xf32>
    %add3A_299 = arith.constant 1.000000e+00 : f32
    %add3A_300 = vector.broadcast %add3A_299 : f32 to vector<16xf32>
    %add3A_301 = arith.addf %add3A_300, %exp3A_298 : vector<16xf32>
    %div3A_302 = arith.constant 1.000000e+00 : f32
    %div3A_303 = vector.broadcast %div3A_302 : f32 to vector<16xf32>
    %div3A_304 = arith.divf %div3A_303, %add3A_301 : vector<16xf32>
    %get3A_305 = arith.constant 80 : index
    %get3A_306 = tpu.vector_load %arg14[%get3A_305] {strides = array<i32>} : memref<128xf32, #tpu.memory_space<vmem>>, vector<16xf32>,
    %get3A_307 = vector.shape_cast %get3A_306 : vector<16xf32> to vector<16xf32>
    %mul3A_308 = arith.mulf %div3A_304, %get3A_307 : vector<16xf32>
    %add3A_309 = arith.addf %mul3A_291, %mul3A_308 : vector<16xf32>
    %swap3A_310 = arith.constant 80 : index
    %swap3A_311 = tpu.vector_load %arg15[%swap3A_310] {strides = array<i32>} : memref<128xf32, #tpu.memory_space<vmem>>, vector<16xf32>,
    %swap3A_312 = vector.shape_cast %swap3A_311 : vector<16xf32> to vector<16xf32>
    %swap3A_313 = vector.shape_cast %add3A_309 : vector<16xf32> to vector<16xf32>
    tpu.vector_store %arg15[%swap3A_310], %swap3A_313 {strides = array<i32>} : memref<128xf32, #tpu.memory_space<vmem>>, vector<16xf32>,
    %get3A_314 = arith.constant 96 : index
    %get3A_315 = tpu.vector_load %arg11[%get3A_314] {strides = array<i32>} : memref<128xf32, #tpu.memory_space<vmem>>, vector<16xf32>,
    %get3A_316 = vector.shape_cast %get3A_315 : vector<16xf32> to vector<16xf32>
    %neg3A_317 = arith.constant 0.000000e+00 : f32
    %neg3A_318 = vector.broadcast %neg3A_317 : f32 to vector<16xf32>
    %neg3A_319 = arith.subf %neg3A_318, %get3A_316 : vector<16xf32>
    %exp3A_320 = math.exp %neg3A_319 : vector<16xf32>
    %add3A_321 = arith.constant 1.000000e+00 : f32
    %add3A_322 = vector.broadcast %add3A_321 : f32 to vector<16xf32>
    %add3A_323 = arith.addf %add3A_322, %exp3A_320 : vector<16xf32>
    %div3A_324 = arith.constant 1.000000e+00 : f32
    %div3A_325 = vector.broadcast %div3A_324 : f32 to vector<16xf32>
    %div3A_326 = arith.divf %div3A_325, %add3A_323 : vector<16xf32>
    %get3A_327 = arith.constant 96 : index
    %get3A_328 = tpu.vector_load %arg13[%get3A_327] {strides = array<i32>} : memref<128xf32, #tpu.memory_space<vmem>>, vector<16xf32>,
    %get3A_329 = vector.shape_cast %get3A_328 : vector<16xf32> to vector<16xf32>
    %neg3A_330 = arith.constant 0.000000e+00 : f32
    %neg3A_331 = vector.broadcast %neg3A_330 : f32 to vector<16xf32>
    %neg3A_332 = arith.subf %neg3A_331, %get3A_329 : vector<16xf32>
    %exp3A_333 = math.exp %neg3A_332 : vector<16xf32>
    %add3A_334 = arith.constant 1.000000e+00 : f32
    %add3A_335 = vector.broadcast %add3A_334 : f32 to vector<16xf32>
    %add3A_336 = arith.addf %add3A_335, %exp3A_333 : vector<16xf32>
    %div3A_337 = arith.constant 1.000000e+00 : f32
    %div3A_338 = vector.broadcast %div3A_337 : f32 to vector<16xf32>
    %div3A_339 = arith.divf %div3A_338, %add3A_336 : vector<16xf32>
    %mul3A_340 = arith.mulf %div3A_326, %div3A_339 : vector<16xf32>
    %get3A_341 = arith.constant 96 : index
    %get3A_342 = tpu.vector_load %arg12[%get3A_341] {strides = array<i32>} : memref<128xf32, #tpu.memory_space<vmem>>, vector<16xf32>,
    %get3A_343 = vector.shape_cast %get3A_342 : vector<16xf32> to vector<16xf32>
    %neg3A_344 = arith.constant 0.000000e+00 : f32
    %neg3A_345 = vector.broadcast %neg3A_344 : f32 to vector<16xf32>
    %neg3A_346 = arith.subf %neg3A_345, %get3A_343 : vector<16xf32>
    %exp3A_347 = math.exp %neg3A_346 : vector<16xf32>
    %add3A_348 = arith.constant 1.000000e+00 : f32
    %add3A_349 = vector.broadcast %add3A_348 : f32 to vector<16xf32>
    %add3A_350 = arith.addf %add3A_349, %exp3A_347 : vector<16xf32>
    %div3A_351 = arith.constant 1.000000e+00 : f32
    %div3A_352 = vector.broadcast %div3A_351 : f32 to vector<16xf32>
    %div3A_353 = arith.divf %div3A_352, %add3A_350 : vector<16xf32>
    %get3A_354 = arith.constant 96 : index
    %get3A_355 = tpu.vector_load %arg14[%get3A_354] {strides = array<i32>} : memref<128xf32, #tpu.memory_space<vmem>>, vector<16xf32>,
    %get3A_356 = vector.shape_cast %get3A_355 : vector<16xf32> to vector<16xf32>
    %mul3A_357 = arith.mulf %div3A_353, %get3A_356 : vector<16xf32>
    %add3A_358 = arith.addf %mul3A_340, %mul3A_357 : vector<16xf32>
    %swap3A_359 = arith.constant 96 : index
    %swap3A_360 = tpu.vector_load %arg15[%swap3A_359] {strides = array<i32>} : memref<128xf32, #tpu.memory_space<vmem>>, vector<16xf32>,
    %swap3A_361 = vector.shape_cast %swap3A_360 : vector<16xf32> to vector<16xf32>
    %swap3A_362 = vector.shape_cast %add3A_358 : vector<16xf32> to vector<16xf32>
    tpu.vector_store %arg15[%swap3A_359], %swap3A_362 {strides = array<i32>} : memref<128xf32, #tpu.memory_space<vmem>>, vector<16xf32>,
    %get3A_363 = arith.constant 112 : index
    %get3A_364 = tpu.vector_load %arg11[%get3A_363] {strides = array<i32>} : memref<128xf32, #tpu.memory_space<vmem>>, vector<16xf32>,
    %get3A_365 = vector.shape_cast %get3A_364 : vector<16xf32> to vector<16xf32>
    %neg3A_366 = arith.constant 0.000000e+00 : f32
    %neg3A_367 = vector.broadcast %neg3A_366 : f32 to vector<16xf32>
    %neg3A_368 = arith.subf %neg3A_367, %get3A_365 : vector<16xf32>
    %exp3A_369 = math.exp %neg3A_368 : vector<16xf32>
    %add3A_370 = arith.constant 1.000000e+00 : f32
    %add3A_371 = vector.broadcast %add3A_370 : f32 to vector<16xf32>
    %add3A_372 = arith.addf %add3A_371, %exp3A_369 : vector<16xf32>
    %div3A_373 = arith.constant 1.000000e+00 : f32
    %div3A_374 = vector.broadcast %div3A_373 : f32 to vector<16xf32>
    %div3A_375 = arith.divf %div3A_374, %add3A_372 : vector<16xf32>
    %get3A_376 = arith.constant 112 : index
    %get3A_377 = tpu.vector_load %arg13[%get3A_376] {strides = array<i32>} : memref<128xf32, #tpu.memory_space<vmem>>, vector<16xf32>,
    %get3A_378 = vector.shape_cast %get3A_377 : vector<16xf32> to vector<16xf32>
    %neg3A_379 = arith.constant 0.000000e+00 : f32
    %neg3A_380 = vector.broadcast %neg3A_379 : f32 to vector<16xf32>
    %neg3A_381 = arith.subf %neg3A_380, %get3A_378 : vector<16xf32>
    %exp3A_382 = math.exp %neg3A_381 : vector<16xf32>
    %add3A_383 = arith.constant 1.000000e+00 : f32
    %add3A_384 = vector.broadcast %add3A_383 : f32 to vector<16xf32>
    %add3A_385 = arith.addf %add3A_384, %exp3A_382 : vector<16xf32>
    %div3A_386 = arith.constant 1.000000e+00 : f32
    %div3A_387 = vector.broadcast %div3A_386 : f32 to vector<16xf32>
    %div3A_388 = arith.divf %div3A_387, %add3A_385 : vector<16xf32>
    %mul3A_389 = arith.mulf %div3A_375, %div3A_388 : vector<16xf32>
    %get3A_390 = arith.constant 112 : index
    %get3A_391 = tpu.vector_load %arg12[%get3A_390] {strides = array<i32>} : memref<128xf32, #tpu.memory_space<vmem>>, vector<16xf32>,
    %get3A_392 = vector.shape_cast %get3A_391 : vector<16xf32> to vector<16xf32>
    %neg3A_393 = arith.constant 0.000000e+00 : f32
    %neg3A_394 = vector.broadcast %neg3A_393 : f32 to vector<16xf32>
    %neg3A_395 = arith.subf %neg3A_394, %get3A_392 : vector<16xf32>
    %exp3A_396 = math.exp %neg3A_395 : vector<16xf32>
    %add3A_397 = arith.constant 1.000000e+00 : f32
    %add3A_398 = vector.broadcast %add3A_397 : f32 to vector<16xf32>
    %add3A_399 = arith.addf %add3A_398, %exp3A_396 : vector<16xf32>
    %div3A_400 = arith.constant 1.000000e+00 : f32
    %div3A_401 = vector.broadcast %div3A_400 : f32 to vector<16xf32>
    %div3A_402 = arith.divf %div3A_401, %add3A_399 : vector<16xf32>
    %get3A_403 = arith.constant 112 : index
    %get3A_404 = tpu.vector_load %arg14[%get3A_403] {strides = array<i32>} : memref<128xf32, #tpu.memory_space<vmem>>, vector<16xf32>,
    %get3A_405 = vector.shape_cast %get3A_404 : vector<16xf32> to vector<16xf32>
    %mul3A_406 = arith.mulf %div3A_402, %get3A_405 : vector<16xf32>
    %add3A_407 = arith.addf %mul3A_389, %mul3A_406 : vector<16xf32>
    %swap3A_408 = arith.constant 112 : index
    %swap3A_409 = tpu.vector_load %arg15[%swap3A_408] {strides = array<i32>} : memref<128xf32, #tpu.memory_space<vmem>>, vector<16xf32>,
    %swap3A_410 = vector.shape_cast %swap3A_409 : vector<16xf32> to vector<16xf32>
    %swap3A_411 = vector.shape_cast %add3A_407 : vector<16xf32> to vector<16xf32>
    tpu.vector_store %arg15[%swap3A_408], %swap3A_411 {strides = array<i32>} : memref<128xf32, #tpu.memory_space<vmem>>, vector<16xf32>,
    "tpu.region"() ({
      %run_scoped3A = tpu.sem_alloc : memref<!tpu.dma_semaphore, #tpu.memory_space<semaphore_mem>>
      %dma_start3A_412 = tpu.memref_slice %arg8[%mul3A_2] : memref<4096xf32, #tpu.memory_space<hbm>> -> memref<128xf32, #tpu.memory_space<hbm>>
      %dma_start3A_413 = tpu.memref_slice %arg8[%mul3A_2] : memref<4096xf32, #tpu.memory_space<hbm>> -> memref<128xf32, #tpu.memory_space<hbm>>
      tpu.enqueue_dma source(%arg15 : memref<128xf32, #tpu.memory_space<vmem>>) target(%dma_start3A_413 : memref<128xf32, #tpu.memory_space<hbm>>) target_semaphore(%run_scoped3A : memref<!tpu.dma_semaphore, #tpu.memory_space<semaphore_mem>>)
      %dma_wait3A_414 = tpu.memref_slice %arg8[%mul3A_2] : memref<4096xf32, #tpu.memory_space<hbm>> -> memref<128xf32, #tpu.memory_space<hbm>>
      %dma_wait3A_415 = tpu.memref_slice %arg8[%mul3A_2] : memref<4096xf32, #tpu.memory_space<hbm>> -> memref<128xf32, #tpu.memory_space<hbm>>
      tpu.wait_dma2 semaphore(%run_scoped3A : memref<!tpu.dma_semaphore, #tpu.memory_space<semaphore_mem>>) src(%arg15 : memref<128xf32, #tpu.memory_space<vmem>>) dst(%dma_wait3A_415 : memref<128xf32, #tpu.memory_space<hbm>>)
      tpu.yield
    }) : () -> ()
    return
  }
}

module attributes {stable_mosaic.version = 14 : i64} {
  func.func @_mean_body(%arg0: i32, %arg1: memref<16x51200xf32, #tpu.memory_space<vmem>>, %arg2: memref<51200xf32, #tpu.memory_space<vmem>>) attributes {dimension_semantics = [#tpu.dimension_semantics<arbitrary>], iteration_bounds = array<i64: 2>, scalar_prefetch = 0 : i64, scratch_operands = 0 : i64, tpu.core_type = #tpu.core_type<tc>, window_params = [{transform_indices = @transform_0, window_bounds = array<i64: 16, 51200>}, {transform_indices = @transform_1, window_bounds = array<i64: 51200>}]} {
    %get3A = arith.constant 0 : index
    %get3A_0 = arith.constant 0 : index
    %get3A_1 = vector.load %arg1[%get3A, %get3A_0] : memref<16x51200xf32, #tpu.memory_space<vmem>>, vector<16x51200xf32>
    %reduce_sum3A = arith.constant dense<0.000000e+00> : vector<51200xf32>
    %reduce_sum3A_2 = vector.multi_reduction <add>, %get3A_1, %reduce_sum3A [0] : vector<16x51200xf32> to vector<51200xf32>
    %mul3A = arith.constant 6.250000e-02 : f32
    %mul3A_3 = vector.broadcast %mul3A : f32 to vector<51200xf32>
    %mul3A_4 = arith.mulf %reduce_sum3A_2, %mul3A_3 : vector<51200xf32>
    %swap3A = arith.constant 0 : index
    %swap3A_5 = vector.load %arg2[%swap3A] : memref<51200xf32, #tpu.memory_space<vmem>>, vector<51200xf32>
    tpu.vector_store %arg2[%swap3A], %mul3A_4 {strides = array<i32>} : memref<51200xf32, #tpu.memory_space<vmem>>, vector<51200xf32>,
    return
  }
  func.func @transform_0(%arg0: i32) -> (i32, i32) {
    %c0_i32 = arith.constant 0 : i32
    %c0_i32_0 = arith.constant 0 : i32
    return %c0_i32, %arg0 : i32, i32
  }
  func.func @transform_1(%arg0: i32) -> i32 {
    %c0_i32 = arith.constant 0 : i32
    return %arg0 : i32
  }
}

</mosaic_0001>

<sc_bundles>
// kernel: kernel.4.cloned.1.call-start
scs
__scs_entry_jumppad:
0x0: {  	(pc) =	sbr.rel $0x88, $3  }
0x1: {  	(tag) =	ssettag $0x0;
	lr =	simm.s32 $0x1  }
0x2: {  	[smem:$0x3F9B] =	sst lr;
	_ =	strace $0xD0000000  }
0x3: {  	_ = 	snop  }
0x4: {  	_ = 	snop  }
0x5: {  	_ = 	snop  }
0x6: {  	_ = 	snop  }
0x7: {  	_ = 	snop  }
__scs_overlays_trampoline_lowered:
0x8: {  	[smem:$0x3FAA] =	sst s0  }
0x9: {  	[smem:$0x3FAB] =	sst s1  }
0xa: {  	[smem:$0x3FAC] =	sst s2  }
0xb: {  	[smem:$0x3FAD] =	sst s3  }
0xc: {  	[smem:$0x3FAE] =	sst s4  }
0xd: {  	[smem:$0x3FAF] =	sst s5  }
0xe: {  	[smem:$0x3FB0] =	sst s6  }
0xf: {  	[smem:$0x3FB1] =	sst s7  }
0x10: {  	[smem:$0x3FB2] =	sst s8  }
0x11: {  	[smem:$0x3FB3] =	sst s9;
	s0 =	simm.s32 @!p0 $0x0  }
0x12: {  	s1 =	sld [smem:$0x3F99];
	s0 =	simm.s32 @p0 $0x1  }
0x13: {  	[smem:$0x3FB4] =	sst s0;
	s0 =	simm.s32 @!p1 $0x0  }
0x14: {  	s2 =	sld [smem:$0x3F98];
	s0 =	simm.s32 @p1 $0x1  }
0x15: {  	[smem:$0x3FB5] =	sst s0;
	s0 =	simm.s32 @!p2 $0x0  }
0x16: {  	s3 =	sld [smem:$0x3FDB];
	s0 =	simm.s32 @p2 $0x1  }
0x17: {  	s4 =	simm.s32 $0x1BF5;
	[smem:$0x3FB7] =	sst s0  }
0x18: {  	s0 =	sld [smem:$0x3F9A];
	_ =	swait.ge [sflag:s4], $0x0  }
0x19: {  	s7 =	sld [smem:$0x3F9B]  }
0x1a: {  	s8 =	sadd.s32 $0xFFFFE003, lr  }
0x1b: {  	s9 =	sadd.s32 $0xFFFFFEF7, lr;
	s5 =	simm.s32 $0xFFFFFFFF;
	p2 =	slt.u32 s8, $0xFFFFF086  }
0x1c: {  	p1 =	slt.u32 s9, $0xF7A;
	s5 =	simm.s32 @!p2 $0x0  }
0x1d: {  	s5 =	simm.s32 @p1 $0x1;
	p0 =	seq.s32 s7, s2  }
0x1e: {  	s7 =	smul.u32 @!p0 $0xF7A, s2;
	p2 =	seq.s32 @!p0 s5, $0x0  }
0x1f: {  	s9 =	smul.u32 $0xF7A, s1;
	s8 =	simm.s32 @!p0 $0x1BF5;
	p2 =	por !p2, p0  }
0x20: {  	[sflag:s8] =	ssyncset.s32 @!p0 $0xFFFFF086;
	s6 =	sadd.s32 @!p0 s3, s7;
	s7 =	simm.s32 @!p0 $0x108  }
0x21: {  	s3 =	sadd.s32 s3, s9;
	s6 =	sadd.s32 @!p0 $0x88, s6;
	s7 =	simm.s32 @p2 $0x1082  }
0x22: {  	[simem:s7], [sflag:s8] =	dma.local @!p0 [hbm:s6], $0xF7A  }
0x23: {  	s9 =	sor.u32 $0xD0000000, s2;
	s6 =	simm.s32 $0x108;
	_ =	swait.ge @!p0 [sflag:s8], $0x0  }
0x24: {  	s3 =	sadd.s32 $0x88, s3;
	s6 =	simm.s32 @!p1 $0x1082;
	[sflag:s4] =	ssyncset.s32 $0xFFFFF086  }
0x25: {  	[simem:s6], [sflag:s4] =	dma.local [hbm:s3], $0xF7A  }
0x26: {  	[smem:$0x3F9B] =	sst s1;
	(tag) =	ssettag s2;
	_ =	strace s9  }
0x27: {  	s1 =	sld [smem:$0x3FAB]  }
0x28: {  	s2 =	sld [smem:$0x3FAC]  }
0x29: {  	s4 =	sld [smem:$0x3FAE]  }
0x2a: {  	p0 =	seq.s32 s5, $0x0;
	s5 =	sld [smem:$0x3FAF]  }
0x2b: {  	s6 =	sld [smem:$0x3FB0]  }
0x2c: {  	s7 =	sld [smem:$0x3FB1]  }
0x2d: {  	s3 =	simm.s32 $0x108;
	s8 =	sld [smem:$0x3FB2]  }
0x2e: {  	s3 =	simm.s32 @!p0 $0x1082;
	s9 =	sld [smem:$0x3FB3]  }
0x2f: {  	lr =	sadd.s32 s0, s3;
	s0 =	sld [smem:$0x3FAA]  }
0x30: {  	s3 =	sld [smem:$0x3FAD]  }
0x31: {  	[smem:$0x3FB6] =	sst s10  }
0x32: {  	s10 =	sld [smem:$0x3FB4];
	_ =	sdelay $0x3  }
0x33: {  	p0 =	seq.s32 s10, $0x1;
	s10 =	sld [smem:$0x3FB6];
	_ =	sdelay $0x3  }
0x34: {  	[smem:$0x3FB6] =	sst s10  }
0x35: {  	s10 =	sld [smem:$0x3FB5];
	_ =	sdelay $0x3  }
0x36: {  	p1 =	seq.s32 s10, $0x1;
	s10 =	sld [smem:$0x3FB6];
	_ =	sdelay $0x3  }
0x37: {  	[smem:$0x3FB6] =	sst s10  }
0x38: {  	s10 =	sld [smem:$0x3FB7]  }
0x39: {  	_ = 	snop;
	(pc) =	sbr.ind lr, $3  }
0x3a: {  	_ = 	snop  }
0x3b: {  	_ = 	snop  }
0x3c: {  	p2 =	seq.s32 s10, $0x1;
	s10 =	sld [smem:$0x3FB6]  }
0x3d: {  	_ =	shalt  }
0x3e: {  	_ =	shalt  }
0x3f: {  	_ =	shalt  }
0x40: {  	_ =	shalt  }
0x41: {  	_ =	shalt  }
0x42: {  	_ =	shalt  }
0x43: {  	_ =	shalt  }
0x44: {  	_ =	shalt  }
0x45: {  	_ =	shalt  }
0x46: {  	_ =	shalt  }
0x47: {  	_ =	shalt  }
0x48: {  	_ =	shalt  }
0x49: {  	_ =	shalt  }
0x4a: {  	_ =	shalt  }
0x4b: {  	_ =	shalt  }
0x4c: {  	_ =	shalt  }
0x4d: {  	_ =	shalt  }
0x4e: {  	_ =	shalt  }
0x4f: {  	_ =	shalt  }
0x50: {  	_ =	shalt  }
0x51: {  	_ =	shalt  }
0x52: {  	_ =	shalt  }
0x53: {  	_ =	shalt  }
0x54: {  	_ =	shalt  }
0x55: {  	_ =	shalt  }
0x56: {  	_ =	shalt  }
0x57: {  	_ =	shalt  }
0x58: {  	_ =	shalt  }
0x59: {  	_ =	shalt  }
0x5a: {  	_ =	shalt  }
0x5b: {  	_ =	shalt  }
0x5c: {  	_ =	shalt  }
0x5d: {  	_ =	shalt  }
0x5e: {  	_ =	shalt  }
0x5f: {  	_ =	shalt  }
0x60: {  	_ =	shalt  }
0x61: {  	_ =	shalt  }
0x62: {  	_ =	shalt  }
0x63: {  	_ =	shalt  }
0x64: {  	_ =	shalt  }
0x65: {  	_ =	shalt  }
0x66: {  	_ =	shalt  }
0x67: {  	_ =	shalt  }
0x68: {  	_ =	shalt  }
0x69: {  	_ =	shalt  }
0x6a: {  	_ =	shalt  }
0x6b: {  	_ =	shalt  }
0x6c: {  	_ =	shalt  }
0x6d: {  	_ =	shalt  }
0x6e: {  	_ =	shalt  }
0x6f: {  	_ =	shalt  }
0x70: {  	_ =	shalt  }
0x71: {  	_ =	shalt  }
0x72: {  	_ =	shalt  }
0x73: {  	_ =	shalt  }
0x74: {  	_ =	shalt  }
0x75: {  	_ =	shalt  }
0x76: {  	_ =	shalt  }
0x77: {  	_ =	shalt  }
0x78: {  	_ =	shalt  }
0x79: {  	_ =	shalt  }
0x7a: {  	_ =	shalt  }
0x7b: {  	_ =	shalt  }
0x7c: {  	_ =	shalt  }
0x7d: {  	_ =	shalt  }
0x7e: {  	_ =	shalt  }
0x7f: {  	_ =	shalt  }
0x80: {  	_ =	shalt  }
0x81: {  	_ =	shalt  }
0x82: {  	_ =	shalt  }
0x83: {  	_ =	shalt  }
0x84: {  	_ =	shalt  }
0x85: {  	_ =	shalt  }
0x86: {  	_ =	shalt  }
0x87: {  	_ =	shalt  }
.Lfunc_end0:
.L_simem_size_0:
called_computation_lowered:
.L_overlay_start_0:
0x88: {  	s2 =	sld [smem:$0x3FD9]  }
0x89: {  	s3 =	sld [smem:$0x3FFE];
	_ =	sdelay $0x1  }
0x8a: {  	s1 =	srdreg.scid  }
0x8b: {  	s0 =	sand.u32 $0x1, s1  }
0x8c: {  	s17 =	sshll.u32 s0, $0xA;
	s2 =	sadd.s32 s3, s2  }
0x8d: {  	s2 =	sadd.s32 s2, s17  }
0x8e: {  	[smem:$0x3FC2] =	sst s2  }
0x8f: {  	_ = 	snop  }
0x90: {  	s2 =	sld [smem:$0x3FC9]  }
0x91: {  	s18 =	sld [smem:$0x3FC8]  }
0x92: {  	s4 =	sld [smem:$0x3FC7]  }
0x93: {  	s5 =	sld [smem:$0x3FC6]  }
0x94: {  	s6 =	sld [smem:$0x3FC5]  }
0x95: {  	s7 =	sld [smem:$0x3FD0];
	(tm) =	ssettm $0x1  }
0x96: {  	s8 =	sld [smem:$0x3FFB];
	_ =	sdelay $0x3  }
0x97: {  	_ =	strace s8  }
0x98: {  	s8 =	sld [smem:$0x3FFC];
	_ =	sdelay $0x3  }
0x99: {  	_ =	strace s8  }
0x9a: {  	s8 =	sld [smem:$0x3FFD];
	_ =	sdelay $0x3  }
0x9b: {  	_ =	strace s8  }
0x9c: {  	_ =	strace $0x8FFFFFFF  }
0x9d: {  	s19 =	sld [smem:$0x3FDB];
	_ =	sdelay $0x1  }
0x9e: {  	s9 =	simm.s32 $_scs_section_size  }
0x9f: {  	s10 =	simm.s32 $_size__tile_overlayer_lowered;
	s11 =	simm.s32 $_tile_overlayer_lowered  }
0xa0: {  	s22 =	simm.s32 $0x1BFF;
	s21 =	sshll.u32 s11, $0x1;
	s8 =	sadd.s32 s9, s19  }
0xa1: {  	s12 =	simm.s32 $0x0;
	s20 =	sshll.u32 s10, $0x1;
	s10 =	sadd.s32 s21, s8  }
0xa2: {  	[timem:s12], [sflag:s22] =	dma.local [hbm:s10], s20  }
0xa3: {  	_ =	swait.ge [sflag:s22], s20  }
0xa4: {  	s9 =	ssub.s32 $0x0, s20;
	[sflag:s22] =	ssyncset.done $0x0  }
0xa5: {  	[sflag:s22] =	ssyncadd.s32 s9;
	_ =	sdelay $0x1  }
0xa6: {  	s23 =	simm.s32 $0x1B8B  }
0xa7: {  	_ =	swait.ge [sflag:s23], $0x1  }
0xa8: {  	[sflag:s23] =	ssyncset.done $0x0  }
0xa9: {  	s25 =	simm.s32 $0x1B8E;
	s24 =	sld [smem:$0x3FFE];
	[sflag:s23] =	ssyncadd.s32 $0xFFFFFFFF  }
0xaa: {  	s26 =	simm.s32 $execute0_lowered;
	[smem:$0x3FD2] =	sst s25  }
0xab: {  	s10 =	sshll.u32 s26, $0x1;
	_ =	strace $0x80000046;
	[dreg:$0x1] =	wrdreg $0xFFFFFFFF  }
0xac: {  	s28 =	simm.s32 $_size_execute0_lowered;
	s8 =	sadd.s32 s8, s10;
	[dreg:$0x0] =	wrdreg $0x0  }
0xad: {  	s10 =	sshll.u32 s28, $0x1;
	[dreg:$0x2] =	wrdreg s8  }
0xae: {  	[dreg:$0x3] =	wrdreg s10  }
0xaf: {  	[dreg:$0x4] =	wrdreg $0xC0  }
0xb0: {  	_ =	task [dreg:s12], $0x5FFFF  }
0xb1: {  	[dreg:$0x1] =	wrdreg $0xFFFFFFFF  }
0xb2: {  	[dreg:$0x0] =	wrdreg $0x60  }
0xb3: {  	[dreg:$0x2] =	wrdreg s2  }
0xb4: {  	[dreg:$0x3] =	wrdreg s18  }
0xb5: {  	[dreg:$0x4] =	wrdreg s4  }
0xb6: {  	[dreg:$0x5] =	wrdreg s5  }
0xb7: {  	[dreg:$0x6] =	wrdreg s6  }
0xb8: {  	[dreg:$0x7] =	wrdreg s24  }
0xb9: {  	[dreg:$0x8] =	wrdreg s7  }
0xba: {  	[dreg:$0x9] =	wrdreg $0x9  }
0xbb: {  	_ =	task.clear_ibuf [dreg:s12], $0xAFFFF;
	_ =	strace $0x90000046  }
0xbc: {  	s29 =	simm.s32 $0x9;
	_ =	strace $0x80000048  }
0xbd: {  	_ =	swait.ge [sflag:s29], $0x1  }
0xbe: {  	[sflag:s29] =	ssyncadd.s32 $0xFFFFFFFF  }
0xbf: {  	_ =	strace $0x90000048  }
0xc0: {  	_ =	sfence  }
0xc1: {  	s30 =	sld [smem:$0x0];
	_ =	sdelay $0x2  }
0xc2: {  	s31 =	sshll.u32 s1, $0xD;
	s1 =	sshrl.u32 s1, $0x2  }
0xc3: {  	s3 =	sand.u32 $0x4000, s31;
	s1 =	sadd.s32 s1, s30  }
0xc4: {  	s0 =	sor.u32 s3, s0;
	s1 =	sshll.u32 s1, $0x11  }
0xc5: {  	s0 =	sor.u32 s1, s0  }
0xc6: {  	s0 =	sadd.s32 $0x8F2B, s0  }
0xc7: {  	[sflag:s0] =	ssyncadd.remote.s32 $0x1  }
0xc8: {  	_ =	sfence.sel $0xFFFF  }
0xc9: {  	[dreg:$0x0] =	wrdreg $0xFFFFFFFF;
	(pc) =	sbr.abs _section_cstart, $3  }
0xca: {  	[dreg:$0x1] =	wrdreg $0xFFFFFFFF  }
0xcb: {  	_ =	task.clear_ibuf [dreg:s12], $0x2FFFF;
	_ =	strace $0x9FFFFFFF  }
0xcc: {  	(tm) =	ssettm $0x7FFFFFFF  }
0xcd: {  	_ =	shalt  }
tec
execute0_lowered:
.L_overlay_start_1:
0x0: {  	(tag) =	ssettag $0x1  }
0x1: {  	s6 =	rddreg [dreg:$0x0]  }
0x2: {  	s7 =	rddreg [dreg:$0x1]  }
0x3: {  	s3 =	rddreg [dreg:$0x2]  }
0x4: {  	s4 =	rddreg [dreg:$0x3]  }
0x5: {  	s5 =	rddreg [dreg:$0x4]  }
0x6: {  	s13 =	rddreg [dreg:$0x5];
	s2 =	srdreg.scid  }
0x7: {  	s15 =	rddreg [dreg:$0x6];
	s1 =	stileid.u32;
	s17 =	sand.u32 $0x1, s2  }
0x8: {  	s2 =	simm.s32 $0x0;
	s8 =	sshll.u32 s1, $0x5;
	s9 =	sshll.u32 s17, $0x4  }
0x9: {  	[smem:$0x7FF] =	sst s2;
	s16 =	sor.u32 s9, s8  }
0xa: {  	s0 =	rddreg [dreg:$0x7];
	_ =	strace $0x80000047;
	s6 =	sadd.s32 s6, s16  }
0xb: {  	[tilespmem:s2], [sflag:$0x1] =	stream.linear.gather [hbm4b:s6+s2], $0x80, $0x38;
	[tilespmem:$0x380] =	vst v63  }
0xc: {  	s8 =	simm.s32 $0x80;
	s9 =	simm.s32 $0x1;
	s7 =	sadd.s32 s7, s16  }
0xd: {  	[tilespmem:s8], [sflag:$0x1] =	stream.linear.gather [hbm4b:s7+s2], $0x80, $0x38;
	[tilespmem:$0x380] =	vst v63  }
0xe: {  	_ =	swait.ge [sflag:s9], $0x80  }
0xf: {  	[sflag:s9] =	ssyncset.done $0x0  }
0x10: {  	[sflag:s9] =	ssyncadd.s32 $0xFFFFFF80  }
0x11: {  	_ =	swait.ge [sflag:s9], $0x80  }
0x12: {  	[sflag:s9] =	ssyncset.done $0x0  }
0x13: {  	s10 =	simm.s32 $0x100;
	[sflag:s9] =	ssyncadd.s32 $0xFFFFFF80  }
0x14: {  	[tilespmem:s10], [sflag:$0x1] =	stream.indirect.gather [hbm4b:s3+s8], $0x1, s2, s8, $0xb8;
	[tilespmem:$0x380] =	vst v63  }
0x15: {  	s11 =	simm.s32 $0x180  }
0x16: {  	[tilespmem:s11], [sflag:$0x1] =	stream.indirect.gather [hbm4b:s4+s8], $0x1, s2, s8, $0xb8;
	[tilespmem:$0x380] =	vst v63  }
0x17: {  	s12 =	simm.s32 $0x200  }
0x18: {  	[tilespmem:s12], [sflag:$0x1] =	stream.indirect.gather [hbm4b:s5+s8], $0x1, s8, s8, $0xb8;
	[tilespmem:$0x380] =	vst v63  }
0x19: {  	s14 =	simm.s32 $0x280;
	s13 =	sadd.s32 $0x800, s13  }
0x1a: {  	[tilespmem:s14], [sflag:$0x1] =	stream.indirect.gather [hbm4b:s13+s8], $0x1, s8, s8, $0xb8;
	[tilespmem:$0x380] =	vst v63  }
0x1b: {  	_ =	swait.ge [sflag:s9], $0x80  }
0x1c: {  	[sflag:s9] =	ssyncset.done $0x0  }
0x1d: {  	[sflag:s9] =	ssyncadd.s32 $0xFFFFFF80  }
0x1e: {  	_ =	swait.ge [sflag:s9], $0x80  }
0x1f: {  	[sflag:s9] =	ssyncset.done $0x0  }
0x20: {  	[sflag:s9] =	ssyncadd.s32 $0xFFFFFF80  }
0x21: {  	_ =	swait.ge [sflag:s9], $0x80  }
0x22: {  	[sflag:s9] =	ssyncset.done $0x0  }
0x23: {  	[sflag:s9] =	ssyncadd.s32 $0xFFFFFF80  }
0x24: {  	_ =	swait.ge [sflag:s9], $0x80  }
0x25: {  	[sflag:s9] =	ssyncset.done $0x0  }
0x26: {  	[sflag:s9] =	ssyncadd.s32 $0xFFFFFF80  }
0x27: {  	v0 =	vld [tilespmem:$0x1F0]  }
0x28: {  	v1 =	vld [tilespmem:$0x190]  }
0x29: {  	v2 =	vld [tilespmem:$0x120]  }
0x2a: {  	v3 =	vld [tilespmem:$0x210]  }
0x2b: {  	v4 =	vld [tilespmem:$0x270]  }
0x2c: {  	v5 =	vld [tilespmem:$0x180];
	v0 =	vsub.f32 $0.0e+00, v0  }
0x2d: {  	v6 =	vld [tilespmem:$0x200];
	v1 =	vsub.f32 $0.0e+00, v1  }
0x2e: {  	v7 =	vld [tilespmem:$0x110];
	v0 =	vmul.f32 $1.442695020e+00, v0  }
0x2f: {  	v8 =	vld [tilespmem:$0x100];
	v3 =	vsub.f32 $0.0e+00, v3;
	v1 =	vmul.f32 $1.442695020e+00, v1  }
0x30: {  	v9 =	vld [tilespmem:$0x260];
	(erf) = vpow2.f32 v0  }
0x31: {  	v0 =	vld [tilespmem:$0x1E0];
	(erf) = vpow2.f32 v1;
	v1 =	vmul.f32 $1.442695020e+00, v3  }
0x32: {  	v6 =	vsub.f32 $0.0e+00, v6;
	v3 =	vsub.f32 $0.0e+00, v5;
	v5 =	vld [tilespmem:$0x160]  }
0x33: {  	v10 =	vld [tilespmem:$0x170];
	(erf) = vpow2.f32 v1  }
0x34: {  	v12 =	vld [tilespmem:$0x130];
	v7 =	vsub.f32 $0.0e+00, v7;
	v4 =	vsub.f32 $0.0e+00, v4;
	v6 =	vmul.f32 $1.442695020e+00, v6  }
0x35: {  	v9 =	vsub.f32 $0.0e+00, v9;
	v1 =	vmul.f32 $1.442695020e+00, v3;
	v3 =	vsub.f32 $0.0e+00, v8;
	v8 =	vld [tilespmem:$0x220]  }
0x36: {  	v7 =	vmul.f32 $1.442695020e+00, v7;
	(erf) = vpow2.f32 v6;
	v6 =	vld [tilespmem:$0x230];
	v0 =	vsub.f32 $0.0e+00, v0  }
0x37: {  	v11 =	vld [tilespmem:$0x1A0];
	v4 =	vmul.f32 $1.442695020e+00, v4;
	v9 =	vmul.f32 $1.442695020e+00, v9;
	v5 =	vsub.f32 $0.0e+00, v5  }
0x38: {  	v10 =	vsub.f32 $0.0e+00, v10;
	(erf) = vpow2.f32 v1;
	v0 =	vmul.f32 $1.442695020e+00, v0  }
0x39: {  	v12 =	vsub.f32 $0.0e+00, v12;
	(erf) = vpow2.f32 v7;
	v5 =	vmul.f32 $1.442695020e+00, v5  }
0x3a: {  	v1 =	vsub.f32 $0.0e+00, v2;
	v2 =	vsub.f32 $0.0e+00, v8;
	v8 =	vld [tilespmem:$0x140];
	v7 =	vpop (erf);
	(erf) = vpow2.f32 v0  }
0x3b: {  	v3 =	vmul.f32 $1.442695020e+00, v3;
	v6 =	vsub.f32 $0.0e+00, v6;
	v13 =	vpop (erf);
	(erf) = vpow2.f32 v5  }
0x3c: {  	v0 =	vld [tilespmem:$0x1B0];
	v5 =	vsub.f32 $0.0e+00, v11;
	v13 =	vadd.f32 $1.000000000e+00, v13;
	(erf) = vpow2.f32 v9;
	v9 =	vpop (erf)  }
0x3d: {  	v11 =	vmul.f32 $1.442695020e+00, v12;
	v12 =	vld [tilespmem:$0x1C0];
	(erf) = vpow2.f32 v3;
	v9 =	vadd.f32 $1.000000000e+00, v9  }
0x3e: {  	v7 =	vadd.f32 $1.000000000e+00, v7;
	v14 =	vmul.f32 $1.442695020e+00, v5;
	(erf) = vrcp.f32 v13  }
0x3f: {  	v3 =	vmul.f32 $1.442695020e+00, v6;
	v13 =	vld [tilespmem:$0x240];
	v5 =	vsub.f32 $0.0e+00, v8;
	(erf) = vrcp.f32 v9  }
0x40: {  	v8 =	vmul.f32 $1.442695020e+00, v10;
	(erf) = vpow2.f32 v4;
	v4 =	vld [tilespmem:$0x1D0]  }
0x41: {  	v6 =	vld [tilespmem:$0x250];
	v0 =	vsub.f32 $0.0e+00, v0;
	v15 =	vmul.f32 $1.442695020e+00, v5;
	v9 =	vpop (erf);
	(erf) = vrcp.f32 v7  }
0x42: {  	v5 =	vmul.f32 $1.442695020e+00, v1;
	v10 =	vpop (erf);
	(erf) = vpow2.f32 v11;
	v11 =	vsub.f32 $0.0e+00, v12  }
0x43: {  	s17 =	ssub.s32 $0x2, s17;
	v17 =	vmul.f32 $1.442695020e+00, v0;
	v7 =	vmul.f32 $1.442695020e+00, v2;
	v2 =	vadd.f32 $1.000000000e+00, v10;
	v10 =	vpop (erf)  }
0x44: {  	s18 =	sshrl.u32 s17, $0x1;
	v16 =	vld [tilespmem:$0x150];
	v9 =	vadd.f32 $1.000000000e+00, v9;
	v12 =	vpop (erf);
	(erf) = vpow2.f32 v15;
	v1 =	vadd.f32 $1.000000000e+00, v10  }
0x45: {  	s17 =	ssub.s32 s17, s18;
	v10 =	vsub.f32 $0.0e+00, v13;
	v13 =	vpop (erf);
	(erf) = vpow2.f32 v8;
	v4 =	vsub.f32 $0.0e+00, v4  }
0x46: {  	s18 =	smax.u32 s17, $0x1;
	v6 =	vsub.f32 $0.0e+00, v6;
	v8 =	vmul.f32 $1.442695020e+00, v11;
	v11 =	vpop (erf);
	(erf) = vrcp.f32 v9  }
0x47: {  	p0 =	sne.s32 s18, $0x1;
	v15 =	vpop (erf);
	(erf) = vrcp.f32 v2;
	v4 =	vmul.f32 $1.442695020e+00, v4  }
.Ltmp0:
0x48: {  	v18 =	vmul.f32 $1.442695020e+00, v6;
	v2 =	vpop (erf);
	(erf) = vpow2.f32 v8;
	(pc) =	sbr.rel @!p0 .LBB2_2-.Ltmp0, $4  }
0x49: {  	v16 =	vsub.f32 $0.0e+00, v16;
	v10 =	vmul.f32 $1.442695020e+00, v10;
	v0 =	vpop (erf);
	(erf) = vpow2.f32 v14  }
0x4a: {  	v9 =	vadd.f32 $1.000000000e+00, v13;
	v11 =	vadd.f32 $1.000000000e+00, v11;
	(erf) = vpow2.f32 v17;
	v6 =	vpop (erf)  }
0x4b: {  	s15 =	sadd.s32 s15, s16;
	v8 =	vadd.f32 $1.000000000e+00, v12;
	v13 =	vadd.f32 $1.000000000e+00, v15;
	(erf) = vpow2.f32 v4;
	v4 =	vpop (erf)  }
0x4c: {  	s16 =	simm.s32 $0x2;
	s17 =	simm.s32 $0x300;
	s18 =	sadd.s32 $0xFFFFFFFF, s18;
	v12 =	vmul.f32 $1.442695020e+00, v16;
	v14 =	vadd.f32 $1.000000000e+00, v6;
	v6 =	vpop (erf);
	(erf) = vpow2.f32 v18  }
.LBB2_1:
0x4d: {  	p0 =	sne.s32 s18, $0x1;
	s18 =	sadd.s32 $0xFFFFFFFF, s18;
	(erf) = vpow2.f32 v7;
	v7 =	vpop (erf)  }
0x4e: {  	v15 =	vld [tilespmem:$0x2F0];
	(erf) = vpow2.f32 v3;
	v3 =	vpop (erf)  }
0x4f: {  	v16 =	vld [tilespmem:$0x290];
	v17 =	vpop (erf);
	(erf) = vrcp.f32 v14  }
0x50: {  	v7 =	vadd.f32 $1.000000000e+00, v7;
	(erf) = vrcp.f32 v13;
	v13 =	vpop (erf)  }
0x51: {  	(erf) = vpow2.f32 v5;
	v5 =	vpop (erf)  }
0x52: {  	v5 =	vadd.f32 $1.000000000e+00, v5;
	v14 =	vpop (erf);
	(erf) = vpow2.f32 v12  }
0x53: {  	v3 =	vadd.f32 $1.000000000e+00, v3;
	v4 =	vmul.f32 v4, v15;
	v12 =	vpop (erf);
	(erf) = vpow2.f32 v10  }
0x54: {  	v2 =	vmul.f32 v2, v16;
	v10 =	vadd.f32 $1.000000000e+00, v12;
	v12 =	vpop (erf);
	(erf) = vrcp.f32 v8  }
0x55: {  	v8 =	vadd.f32 $1.000000000e+00, v14;
	v15 =	vadd.f32 $1.000000000e+00, v12;
	v14 =	vpop (erf);
	(erf) = vrcp.f32 v9  }
0x56: {  	v9 =	vadd.f32 $1.000000000e+00, v14;
	v14 =	vpop (erf);
	(erf) = vrcp.f32 v11  }
0x57: {  	v11 =	vadd.f32 $1.000000000e+00, v14;
	(erf) = vrcp.f32 v1;
	v1 =	vpop (erf)  }
0x58: {  	(erf) = vrcp.f32 v15;
	v12 =	vpop (erf)  }
0x59: {  	v14 =	vld [tilespmem:$0x2E0];
	v15 =	vpop (erf);
	(erf) = vrcp.f32 v7  }
0x5a: {  	v7 =	vpop (erf);
	(erf) = vrcp.f32 v8  }
0x5b: {  	v7 =	vadd.f32 $1.000000000e+00, v7;
	(erf) = vrcp.f32 v10;
	v8 =	vpop (erf)  }
0x5c: {  	v8 =	vadd.f32 $1.000000000e+00, v8;
	v10 =	vpop (erf);
	(erf) = vrcp.f32 v9  }
0x5d: {  	v6 =	vadd.f32 $1.000000000e+00, v6;
	v9 =	vadd.f32 $1.000000000e+00, v10;
	(erf) = vrcp.f32 v5;
	v5 =	vpop (erf)  }
0x5e: {  	v1 =	vadd.f32 $1.000000000e+00, v1;
	v5 =	vmul.f32 v5, v14;
	(erf) = vrcp.f32 v11;
	v10 =	vpop (erf)  }
0x5f: {  	(erf) = vrcp.f32 v7;
	v7 =	vpop (erf)  }
0x60: {  	v11 =	vld [tilespmem:$0x2A0];
	v14 =	vpop (erf);
	(erf) = vrcp.f32 v9  }
0x61: {  	v16 =	vmul.f32 v7, v10;
	v9 =	vld [tilespmem:$0x2B0];
	(erf) = vrcp.f32 v6;
	v6 =	vpop (erf)  }
0x62: {  	v0 =	vmul.f32 v0, v14;
	v10 =	vpop (erf);
	(erf) = vrcp.f32 v3  }
0x63: {  	v14 =	vadd.f32 v5, v16;
	v3 =	vld [tilespmem:$0x280];
	v7 =	vpop (erf);
	(erf) = vrcp.f32 v8  }
0x64: {  	v0 =	vadd.f32 v2, v0;
	(erf) = vrcp.f32 v1;
	v1 =	vpop (erf)  }
0x65: {  	v2 =	vmul.f32 v7, v11;
	v7 =	vld [tilespmem:$0x2D0];
	[tilespmem:$0x360] =	vst v14;
	v5 =	vpop (erf)  }
0x66: {  	[tilespmem:$0x310] =	vst v0;
	v0 =	vmul.f32 v1, v9;
	v1 =	vld [tilespmem:$0x2C0];
	v8 =	vpop (erf)  }
0x67: {  	v9 =	vpop (erf)  }
0x68: {  	v3 =	vmul.f32 v13, v3;
	v11 =	vpop (erf)  }
0x69: {  	v13 =	vmul.f32 v17, v15;
	v14 =	vmul.f32 v9, v11;
	v11 =	vpop (erf)  }
0x6a: {  	v10 =	vmul.f32 v11, v10;
	v6 =	vmul.f32 v6, v7;
	v7 =	vpop (erf)  }
0x6b: {  	v3 =	vadd.f32 v3, v13;
	v2 =	vadd.f32 v2, v14;
	v1 =	vmul.f32 v8, v1;
	v8 =	vpop (erf)  }
0x6c: {  	v9 =	vpop (erf)  }
0x6d: {  	[tilespmem:$0x300] =	vst v3;
	v1 =	vadd.f32 v1, v10;
	v3 =	vmul.f32 v12, v8;
	v8 =	vpop (erf)  }
0x6e: {  	v5 =	vmul.f32 v5, v9;
	[tilespmem:$0x320] =	vst v2;
	v2 =	vmul.f32 v8, v7  }
0x6f: {  	[tilespmem:$0x340] =	vst v1;
	v1 =	vadd.f32 v4, v3  }
0x70: {  	v0 =	vadd.f32 v0, v2;
	v2 =	vadd.f32 v6, v5  }
0x71: {  	[tilespmem:$0x370] =	vst v1  }
0x72: {  	[tilespmem:$0x330] =	vst v0;
	_ =	sdelay $0x1  }
0x73: {  	[tilespmem:$0x350] =	vst v2  }
0x74: {  	[hbm4b:s15+s2] =	stream.linear.scatter [tilespmem:s17], [sflag:$0x2], $0x80, $0x38;
	[tilespmem:$0x380] =	vst v63  }
0x75: {  	_ =	swait.ge [sflag:s16], $0x80  }
0x76: {  	[sflag:s16] =	ssyncset.done $0x0  }
0x77: {  	[sflag:s16] =	ssyncadd.s32 $0xFFFFFF80  }
0x78: {  	[tilespmem:s2], [sflag:$0x1] =	stream.linear.gather [hbm4b:s6+s2], $0x80, $0x38;
	[tilespmem:$0x380] =	vst v63  }
0x79: {  	_ = 	snop  }
0x7a: {  	[tilespmem:s8], [sflag:$0x1] =	stream.linear.gather [hbm4b:s7+s2], $0x80, $0x38;
	[tilespmem:$0x380] =	vst v63  }
0x7b: {  	_ =	swait.ge [sflag:s9], $0x80  }
0x7c: {  	[sflag:s9] =	ssyncset.done $0x0  }
0x7d: {  	[sflag:s9] =	ssyncadd.s32 $0xFFFFFF80  }
0x7e: {  	_ =	swait.ge [sflag:s9], $0x80  }
0x7f: {  	[sflag:s9] =	ssyncset.done $0x0  }
0x80: {  	[sflag:s9] =	ssyncadd.s32 $0xFFFFFF80  }
0x81: {  	[tilespmem:s10], [sflag:$0x1] =	stream.indirect.gather [hbm4b:s3+s8], $0x1, s2, s8, $0xb8;
	[tilespmem:$0x380] =	vst v63  }
0x82: {  	_ = 	snop  }
0x83: {  	[tilespmem:s11], [sflag:$0x1] =	stream.indirect.gather [hbm4b:s4+s8], $0x1, s2, s8, $0xb8;
	[tilespmem:$0x380] =	vst v63  }
0x84: {  	_ = 	snop  }
0x85: {  	[tilespmem:s12], [sflag:$0x1] =	stream.indirect.gather [hbm4b:s5+s8], $0x1, s8, s8, $0xb8;
	[tilespmem:$0x380] =	vst v63  }
0x86: {  	_ = 	snop  }
0x87: {  	[tilespmem:s14], [sflag:$0x1] =	stream.indirect.gather [hbm4b:s13+s8], $0x1, s8, s8, $0xb8;
	[tilespmem:$0x380] =	vst v63  }
0x88: {  	_ =	swait.ge [sflag:s9], $0x80  }
0x89: {  	[sflag:s9] =	ssyncset.done $0x0  }
0x8a: {  	[sflag:s9] =	ssyncadd.s32 $0xFFFFFF80  }
0x8b: {  	_ =	swait.ge [sflag:s9], $0x80  }
0x8c: {  	[sflag:s9] =	ssyncset.done $0x0  }
0x8d: {  	[sflag:s9] =	ssyncadd.s32 $0xFFFFFF80  }
0x8e: {  	_ =	swait.ge [sflag:s9], $0x80  }
0x8f: {  	[sflag:s9] =	ssyncset.done $0x0  }
0x90: {  	[sflag:s9] =	ssyncadd.s32 $0xFFFFFF80  }
0x91: {  	_ =	swait.ge [sflag:s9], $0x80  }
0x92: {  	[sflag:s9] =	ssyncset.done $0x0  }
0x93: {  	[sflag:s9] =	ssyncadd.s32 $0xFFFFFF80  }
0x94: {  	v0 =	vld [tilespmem:$0x1F0]  }
0x95: {  	v1 =	vld [tilespmem:$0x190]  }
0x96: {  	v2 =	vld [tilespmem:$0x120]  }
0x97: {  	v3 =	vld [tilespmem:$0x270]  }
0x98: {  	v4 =	vld [tilespmem:$0x210]  }
0x99: {  	v5 =	vld [tilespmem:$0x180];
	v0 =	vsub.f32 $0.0e+00, v0  }
0x9a: {  	v6 =	vld [tilespmem:$0x200];
	v1 =	vsub.f32 $0.0e+00, v1  }
0x9b: {  	v7 =	vld [tilespmem:$0x110];
	v0 =	vmul.f32 $1.442695020e+00, v0  }
0x9c: {  	v8 =	vld [tilespmem:$0x100];
	v1 =	vmul.f32 $1.442695020e+00, v1  }
0x9d: {  	v4 =	vsub.f32 $0.0e+00, v4;
	v9 =	vld [tilespmem:$0x260];
	(erf) = vpow2.f32 v0  }
0x9e: {  	v0 =	vsub.f32 $0.0e+00, v5;
	v5 =	vld [tilespmem:$0x1E0];
	(erf) = vpow2.f32 v1  }
0x9f: {  	v1 =	vsub.f32 $0.0e+00, v6;
	v4 =	vmul.f32 $1.442695020e+00, v4;
	v6 =	vld [tilespmem:$0x160]  }
0xa0: {  	v0 =	vmul.f32 $1.442695020e+00, v0;
	v7 =	vsub.f32 $0.0e+00, v7;
	v10 =	vld [tilespmem:$0x170]  }
0xa1: {  	v8 =	vsub.f32 $0.0e+00, v8;
	v1 =	vmul.f32 $1.442695020e+00, v1;
	v11 =	vld [tilespmem:$0x220];
	(erf) = vpow2.f32 v4  }
0xa2: {  	v3 =	vsub.f32 $0.0e+00, v3;
	v4 =	vmul.f32 $1.442695020e+00, v7;
	v7 =	vld [tilespmem:$0x1A0];
	v9 =	vsub.f32 $0.0e+00, v9  }
0xa3: {  	v8 =	vmul.f32 $1.442695020e+00, v8;
	v12 =	vld [tilespmem:$0x130];
	v5 =	vsub.f32 $0.0e+00, v5;
	(erf) = vpow2.f32 v1  }
0xa4: {  	v13 =	vmul.f32 $1.442695020e+00, v3;
	v1 =	vld [tilespmem:$0x230];
	v6 =	vsub.f32 $0.0e+00, v6;
	(erf) = vpow2.f32 v0  }
0xa5: {  	v0 =	vsub.f32 $0.0e+00, v2;
	v2 =	vld [tilespmem:$0x1B0];
	v3 =	vmul.f32 $1.442695020e+00, v5;
	(erf) = vpow2.f32 v4  }
0xa6: {  	v10 =	vsub.f32 $0.0e+00, v10;
	v4 =	vsub.f32 $0.0e+00, v11;
	v5 =	vld [tilespmem:$0x140];
	v6 =	vmul.f32 $1.442695020e+00, v6;
	v11 =	vpop (erf)  }
0xa7: {  	v9 =	vmul.f32 $1.442695020e+00, v9;
	v14 =	vld [tilespmem:$0x240];
	v11 =	vadd.f32 $1.000000000e+00, v11;
	v15 =	vpop (erf);
	(erf) = vpow2.f32 v3  }
0xa8: {  	v15 =	vadd.f32 $1.000000000e+00, v15;
	v18 =	vsub.f32 $0.0e+00, v12;
	v12 =	vld [tilespmem:$0x1C0];
	(erf) = vpow2.f32 v6  }
0xa9: {  	v6 =	vsub.f32 $0.0e+00, v7;
	v1 =	vsub.f32 $0.0e+00, v1;
	v16 =	vld [tilespmem:$0x150];
	(erf) = vpow2.f32 v9  }
0xaa: {  	v9 =	vmul.f32 $1.442695020e+00, v18;
	v2 =	vsub.f32 $0.0e+00, v2;
	v17 =	vld [tilespmem:$0x250];
	(erf) = vpow2.f32 v8;
	v3 =	vpop (erf)  }
0xab: {  	v6 =	vmul.f32 $1.442695020e+00, v6;
	v8 =	vadd.f32 $1.000000000e+00, v3;
	v3 =	vmul.f32 $1.442695020e+00, v1;
	v18 =	vld [tilespmem:$0x1D0]  }
0xac: {  	v19 =	vmul.f32 $1.442695020e+00, v10;
	v20 =	vsub.f32 $0.0e+00, v5;
	v5 =	vpop (erf);
	(erf) = vrcp.f32 v15  }
0xad: {  	v7 =	vmul.f32 $1.442695020e+00, v4;
	v15 =	vadd.f32 $1.000000000e+00, v5;
	v4 =	vpop (erf);
	(erf) = vrcp.f32 v8  }
0xae: {  	v5 =	vmul.f32 $1.442695020e+00, v0;
	v0 =	vmul.f32 $1.442695020e+00, v20;
	v4 =	vadd.f32 $1.000000000e+00, v4;
	v1 =	vpop (erf)  }
0xaf: {  	v1 =	vadd.f32 $1.000000000e+00, v1;
	v17 =	vsub.f32 $0.0e+00, v17;
	(erf) = vpow2.f32 v13  }
0xb0: {  	v10 =	vsub.f32 $0.0e+00, v14;
	v12 =	vsub.f32 $0.0e+00, v12;
	v8 =	vpop (erf);
	(erf) = vrcp.f32 v11  }
0xb1: {  	v14 =	vsub.f32 $0.0e+00, v16;
	v8 =	vadd.f32 $1.000000000e+00, v8;
	(erf) = vpow2.f32 v9;
	v9 =	vpop (erf)  }
0xb2: {  	v16 =	vmul.f32 $1.442695020e+00, v12;
	v9 =	vadd.f32 $1.000000000e+00, v9;
	(erf) = vpow2.f32 v0;
	v0 =	vpop (erf)  }
0xb3: {  	v10 =	vmul.f32 $1.442695020e+00, v10;
	v11 =	vadd.f32 $1.000000000e+00, v0;
	v0 =	vpop (erf);
	(erf) = vpow2.f32 v19  }
0xb4: {  	v12 =	vmul.f32 $1.442695020e+00, v14;
	v13 =	vadd.f32 $1.000000000e+00, v0;
	(erf) = vrcp.f32 v15  }
0xb5: {  	v14 =	vmul.f32 $1.442695020e+00, v2;
	v15 =	vsub.f32 $0.0e+00, v18;
	(erf) = vrcp.f32 v4;
	v2 =	vpop (erf)  }
.Ltmp1:
0xb6: {  	v17 =	vmul.f32 $1.442695020e+00, v17;
	v0 =	vpop (erf);
	(erf) = vpow2.f32 v16;
	(pc) =	sbr.rel @p0 .LBB2_1-.Ltmp1, $4  }
0xb7: {  	v15 =	vmul.f32 $1.442695020e+00, v15;
	(erf) = vpow2.f32 v6  }
0xb8: {  	(erf) = vpow2.f32 v14;
	v6 =	vpop (erf)  }
0xb9: {  	v14 =	vadd.f32 $1.000000000e+00, v6;
	(erf) = vpow2.f32 v15;
	v4 =	vpop (erf)  }
0xba: {  	v6 =	vpop (erf);
	(erf) = vpow2.f32 v17  }
.LBB2_2:
0xbb: {  	(erf) = vpow2.f32 v7;
	v61 =	vpop (erf)  }
0xbc: {  	(erf) = vpow2.f32 v3;
	v62 =	vpop (erf)  }
0xbd: {  	v15 =	vpop (erf);
	(erf) = vrcp.f32 v14  }
0xbe: {  	(erf) = vrcp.f32 v13;
	v63 =	vpop (erf)  }
0xbf: {  	(erf) = vpow2.f32 v5;
	v21 =	vpop (erf)  }
0xc0: {  	v22 =	vpop (erf);
	(erf) = vpow2.f32 v12  }
0xc1: {  	v23 =	vpop (erf);
	(erf) = vpow2.f32 v10  }
0xc2: {  	v24 =	vpop (erf);
	(erf) = vrcp.f32 v8  }
0xc3: {  	v25 =	vpop (erf);
	(erf) = vrcp.f32 v9  }
0xc4: {  	v26 =	vadd.f32 $1.000000000e+00, v24;
	v27 =	vpop (erf);
	(erf) = vrcp.f32 v11  }
0xc5: {  	v7 =	vadd.f32 $1.000000000e+00, v61;
	(erf) = vrcp.f32 v1;
	v28 =	vpop (erf)  }
0xc6: {  	v29 =	vadd.f32 $1.000000000e+00, v22;
	(erf) = vrcp.f32 v26;
	v30 =	vpop (erf)  }
0xc7: {  	v12 =	vadd.f32 $1.000000000e+00, v23;
	v31 =	vpop (erf);
	(erf) = vrcp.f32 v7  }
0xc8: {  	v32 =	vadd.f32 $1.000000000e+00, v25;
	v33 =	vpop (erf);
	(erf) = vrcp.f32 v29  }
0xc9: {  	v5 =	vadd.f32 $1.000000000e+00, v21;
	(erf) = vrcp.f32 v12;
	v34 =	vpop (erf)  }
0xca: {  	v10 =	vadd.f32 $1.000000000e+00, v27;
	v35 =	vpop (erf);
	(erf) = vrcp.f32 v32  }
0xcb: {  	v36 =	vadd.f32 $1.000000000e+00, v33;
	(erf) = vrcp.f32 v5;
	v37 =	vpop (erf)  }
0xcc: {  	v38 =	vadd.f32 $1.000000000e+00, v35;
	(erf) = vrcp.f32 v10;
	v39 =	vpop (erf)  }
0xcd: {  	v6 =	vadd.f32 $1.000000000e+00, v6;
	(erf) = vrcp.f32 v36;
	v40 =	vpop (erf)  }
0xce: {  	v3 =	vadd.f32 $1.000000000e+00, v62;
	v41 =	vpop (erf);
	(erf) = vrcp.f32 v38  }
0xcf: {  	v42 =	vadd.f32 $1.000000000e+00, v34;
	(erf) = vrcp.f32 v6;
	v43 =	vpop (erf)  }
0xd0: {  	v46 =	vld [tilespmem:$0x290];
	v1 =	vadd.f32 $1.000000000e+00, v28;
	v44 =	vpop (erf);
	(erf) = vrcp.f32 v3  }
0xd1: {  	v45 =	vld [tilespmem:$0x2E0];
	v16 =	vpop (erf);
	(erf) = vrcp.f32 v42  }
0xd2: {  	v17 =	vld [tilespmem:$0x280];
	(erf) = vrcp.f32 v1;
	v47 =	vpop (erf)  }
0xd3: {  	v19 =	vld [tilespmem:$0x2A0];
	v18 =	vpop (erf)  }
0xd4: {  	v21 =	vld [tilespmem:$0x2C0];
	v20 =	vpop (erf)  }
0xd5: {  	v48 =	vld [tilespmem:$0x2F0];
	v2 =	vmul.f32 v2, v46;
	v0 =	vmul.f32 v0, v41;
	v22 =	vpop (erf)  }
0xd6: {  	v53 =	vld [tilespmem:$0x2D0];
	v7 =	vmul.f32 v40, v39;
	v3 =	vmul.f32 v37, v45;
	v49 =	vpop (erf)  }
0xd7: {  	v50 =	vld [tilespmem:$0x2B0];
	v52 =	vmul.f32 v63, v17;
	v14 =	vmul.f32 v15, v31;
	v0 =	vadd.f32 v2, v0;
	v51 =	vpop (erf)  }
0xd8: {  	v3 =	vadd.f32 v3, v7;
	v55 =	vmul.f32 v16, v19;
	v10 =	vmul.f32 v22, v49;
	v54 =	vpop (erf)  }
0xd9: {  	v7 =	vadd.f32 v52, v14;
	[tilespmem:$0x310] =	vst v0;
	v58 =	vmul.f32 v20, v21;
	v57 =	vmul.f32 v51, v44;
	v56 =	vpop (erf)  }
0xda: {  	v4 =	vmul.f32 v4, v48;
	[tilespmem:$0x360] =	vst v3;
	v60 =	vadd.f32 v55, v10;
	v59 =	vpop (erf);
	v61 =	vmul.f32 v30, v56  }
0xdb: {  	v6 =	vmul.f32 v43, v53;
	[tilespmem:$0x300] =	vst v7;
	v3 =	vadd.f32 v58, v57;
	v62 =	vpop (erf);
	v63 =	vmul.f32 v18, v59  }
0xdc: {  	v1 =	vmul.f32 v47, v50;
	[tilespmem:$0x320] =	vst v60;
	v5 =	vmul.f32 v62, v54;
	v2 =	vadd.f32 v4, v61  }
0xdd: {  	[tilespmem:$0x340] =	vst v3;
	v0 =	vadd.f32 v6, v63  }
0xde: {  	v1 =	vadd.f32 v1, v5;
	[tilespmem:$0x370] =	vst v2  }
0xdf: {  	[tilespmem:$0x350] =	vst v0  }
0xe0: {  	[tilespmem:$0x330] =	vst v1  }
0xe1: {  	[hbm4b:s15+s2] =	stream.linear.scatter [tilespmem:s17], [sflag:$0x2], $0x80, $0x38;
	[tilespmem:$0x380] =	vst v63  }
0xe2: {  	_ =	swait.ge [sflag:s16], $0x80  }
0xe3: {  	[sflag:s16] =	ssyncset.done $0x0  }
0xe4: {  	[sflag:s16] =	ssyncadd.s32 $0xFFFFFF80  }
0xe5: {  	_ =	sfence.sel $0x180000  }
0xe6: {  	[bflag:$0x0] =	sbarrier.arrive $0xFFFF  }
0xe7: {  	p0 =	sne.s32 s1, $0x0;
	_ =	strace $0x90000047  }
0xe8: {  	s0 =	sadd.s32 @!p0 $0x100000, s0;
	[bflag:$0x2] =	sbarrier.arrive $0xFFFF  }
0xe9: {  	[sflag:s0] =	ssyncadd.tile.s32 @!p0 $0x1;
	_ =	shalt  }
.Lfunc_end2:
_tile_overlayer_lowered:
.L_overlay_start_2:
0xea: {  	(tag) =	ssettag $0x2  }
0xeb: {  	s0 =	rddreg [dreg:$0x0];
	s2 =	stileid.u32  }
0xec: {  	s1 =	rddreg [dreg:$0x1];
	p0 =	sne.s32 s2, $0x0  }
0xed: {  	s3 =	rddreg [dreg:$0x2];
	[bflag:$0x3] =	sbarrier.arrive $0xFFFF;
	s2 =	simm.s32 @!p0 $0x1C02  }
0xee: {  	[timem:s3], [sflag:s2] =	dma.local @!p0 [hbm:s0], s1  }
0xef: {  	s0 =	simm.s32 @!p0 $0x2  }
0xf0: {  	_ =	swait.ge @!p0 [sflag:s0], s1  }
0xf1: {  	s1 =	ssub.s32 @!p0 $0x0, s1;
	[sflag:s0] =	ssyncset.done @!p0 $0x0  }
0xf2: {  	[sflag:s0] =	ssyncadd.s32 @!p0 s1  }
0xf3: {  	[bflag:$0x3] =	sbarrier.arrive $0xFFFF  }
0xf4: {  	_ =	shalt  }

</sc_bundles>
